<compile_context>
chip_gen: v7x
topology: tpu7x:2x2x1
jax: 0.10.2.dev20260603
libtpu: 0.0.44.dev20260713+nightly
codegen_flags: <defaults>
</compile_context>

<pallas_src>
import functools

import jax
import jax.numpy as jnp
from jax import lax
from jax.experimental import pallas as pl
from jax.experimental.pallas import tpu as pltpu
from jax.experimental.pallas import tpu_sc as plsc

NC, NS = 2, 16
NW = NC * NS
L = 16


@functools.lru_cache(maxsize=None)
def _make_feature_gather(voc: int, dim: int, seq: int, batch: int):
    feats_per_w = dim // NW
    n_vec = batch // L

    mesh = plsc.VectorSubcoreMesh(core_axis_name="c", subcore_axis_name="s")

    @functools.partial(
        pl.kernel,
        out_type=jax.ShapeDtypeStruct((seq, dim, batch), jnp.float32),
        mesh=mesh,
        scratch_types=[
            pltpu.VMEM((voc,), jnp.float32),
            pltpu.VMEM((2, batch), jnp.int32),
            pltpu.VMEM((2, batch), jnp.float32),
            pltpu.SemaphoreType.DMA,
            pltpu.SemaphoreType.DMA((2,)),
            pltpu.SemaphoreType.DMA((2,)),
        ],
        compiler_params=pltpu.CompilerParams(needs_layout_passes=False),
    )
    def gather_kernel(tab_hbm, idx_hbm, out_hbm, voc_v, idx_v, out_v, ssem,
                      isem, osem):
        wid = lax.axis_index("s") * NC + lax.axis_index("c")
        d0 = wid * feats_per_w

        pltpu.async_copy(tab_hbm.at[d0], voc_v, ssem)
        for b in range(2):
            pltpu.async_copy(idx_hbm.at[b], idx_v.at[b], isem.at[b])

        for f in range(feats_per_w):
            d = d0 + f
            pltpu.make_async_copy(tab_hbm.at[d], voc_v, ssem).wait()

            @pl.loop(0, seq, step=2)
            def _(s0):
                for b in range(2):
                    s = s0 + b
                    pltpu.make_async_copy(
                        idx_hbm.at[0], idx_v.at[b], isem.at[b]
                    ).wait()

                    @pl.when(s >= 2)
                    def _():
                        pltpu.make_async_copy(
                            out_v.at[b], out_hbm.at[0, 0], osem.at[b]
                        ).wait()

                    @plsc.parallel_loop(0, n_vec, unroll=32)
                    def _(i):
                        g = plsc.load_gather(
                            voc_v, [idx_v[b, pl.ds(i * L, L)]]
                        )
                        out_v[b, pl.ds(i * L, L)] = g

                    @pl.when(s + 2 < seq)
                    def _():
                        pltpu.async_copy(
                            idx_hbm.at[s + 2], idx_v.at[b], isem.at[b]
                        )

                    pltpu.async_copy(out_v.at[b], out_hbm.at[s, d], osem.at[b])

            if f + 1 < feats_per_w:
                pltpu.async_copy(tab_hbm.at[d + 1], voc_v, ssem)
                for b in range(2):
                    pltpu.async_copy(idx_hbm.at[b], idx_v.at[b], isem.at[b])
            for b in range(2):
                pltpu.make_async_copy(
                    out_v.at[b], out_hbm.at[0, 0], osem.at[b]
                ).wait()

    return gather_kernel


def kernel(indices, table):
    voc, dim = table.shape
    bsz, seq = indices.shape
    tab_t = table.T
    idx_t = indices.T.astype(jnp.int32)
    out_t = _make_feature_gather(voc, dim, seq, bsz)(tab_t, idx_t)
    return jnp.transpose(out_t, (2, 0, 1))

# --- scband reference (transcript-rebuilt; emitter-appended) ---
"""Pipeline reference for scband-token-embedding-20658792694382 (READ-ONLY COPY).

The authoritative reference and input builder live on the scoring server;
editing this copy changes nothing except your own understanding.
"""

import jax, jax.numpy as jnp
import numpy as np

VOC_SIZE = 100000
DIM_MODEL = 64
BATCH = 4096
SEQ = 50
PADDING_IDX = 1


def setup_inputs(seed: int = 0) -> dict:
    key = jax.random.key(seed)
    k_idx, k_tab = jax.random.split(key)
    indices = jax.random.randint(k_idx, (BATCH, SEQ), 0, VOC_SIZE, dtype=jnp.int64 if jax.config.jax_enable_x64 else jnp.int32)
    table = jax.random.normal(k_tab, (VOC_SIZE, DIM_MODEL), dtype=jnp.float32)
    # nn.Embedding with padding_idx=1 initializes that row to zeros
    table = table.at[PADDING_IDX].set(0.0)
    return {"indices": indices, "table": table}


def reference(indices, table):
    # TokenEmbedding.forward == nn.Embedding.forward: pure row gather
    return jnp.take(table, indices, axis=0)

if __name__ == "__main__":
    import jax
    _d = setup_inputs()
    print(jax.jit(kernel)(*tuple(_d.values())))

</pallas_src>

<mosaic_0001>
#map = affine_map<(d0, d1) -> (0, 0)>
#map1 = affine_map<(d0, d1) -> (0, 0, 0)>
module attributes {stable_mosaic.version = 14 : i64} {
  func.func @gather_kernel(%arg0: i32, %arg1: i32, %arg2: memref<64x100000xf32, #tpu.memory_space<hbm>>, %arg3: memref<50x4096xi32, #tpu.memory_space<hbm>>, %arg4: memref<50x64x4096xf32, #tpu.memory_space<hbm>>, %arg5: memref<100000xf32, #tpu.memory_space<vmem>>, %arg6: memref<2x4096xi32, #tpu.memory_space<vmem>>, %arg7: memref<2x4096xf32, #tpu.memory_space<vmem>>, %arg8: memref<!tpu.dma_semaphore, #tpu.memory_space<semaphore_mem>>, %arg9: memref<2x!tpu.dma_semaphore, #tpu.memory_space<semaphore_mem>>, %arg10: memref<2x!tpu.dma_semaphore, #tpu.memory_space<semaphore_mem>>) attributes {dimension_semantics = [#tpu.dimension_semantics<core_parallel>, #tpu.dimension_semantics<subcore_parallel>], iteration_bounds = array<i64: 2, 16>, scalar_prefetch = 0 : i64, scratch_operands = 6 : i64, tpu.core_type = #tpu.core_type<sc_vector_subcore>, window_params = [{transform_indices = #map}, {transform_indices = #map}, {transform_indices = #map1}]} {
    %mul3A = arith.constant 2 : i32
    %mul3A_0 = arith.muli %arg1, %mul3A : i32
    %add3A = arith.addi %mul3A_0, %arg0 : i32
    %mul3A_1 = arith.constant 2 : i32
    %mul3A_2 = arith.muli %add3A, %mul3A_1 : i32
    %dma_start3A = arith.constant 0 : i32
    %dma_start3A_3 = tpu.memref_slice %arg2[%mul3A_2, %dma_start3A] : memref<64x100000xf32, #tpu.memory_space<hbm>> -> memref<1x100000xf32, #tpu.memory_space<hbm>>
    %dma_start3A_4 = tpu.memref_squeeze %dma_start3A_3 : memref<1x100000xf32, #tpu.memory_space<hbm>> -> memref<100000xf32, #tpu.memory_space<hbm>>
    %dma_start3A_5 = arith.constant 0 : i32
    %dma_start3A_6 = tpu.memref_slice %arg2[%mul3A_2, %dma_start3A_5] : memref<64x100000xf32, #tpu.memory_space<hbm>> -> memref<1x100000xf32, #tpu.memory_space<hbm>>
    %dma_start3A_7 = tpu.memref_squeeze %dma_start3A_6 : memref<1x100000xf32, #tpu.memory_space<hbm>> -> memref<100000xf32, #tpu.memory_space<hbm>>
    tpu.enqueue_dma source(%dma_start3A_7 : memref<100000xf32, #tpu.memory_space<hbm>>) target(%arg5 : memref<100000xf32, #tpu.memory_space<vmem>>) target_semaphore(%arg8 : memref<!tpu.dma_semaphore, #tpu.memory_space<semaphore_mem>>)
    %dma_start3A_8 = arith.constant 0 : i32
    %dma_start3A_9 = arith.constant 0 : i32
    %dma_start3A_10 = arith.constant 0 : i32
    %dma_start3A_11 = arith.constant 0 : i32
    %dma_start3A_12 = tpu.memref_slice %arg6[%dma_start3A_9, %dma_start3A_11] : memref<2x4096xi32, #tpu.memory_space<vmem>> -> memref<1x4096xi32, #tpu.memory_space<vmem>>
    %dma_start3A_13 = tpu.memref_squeeze %dma_start3A_12 : memref<1x4096xi32, #tpu.memory_space<vmem>> -> memref<4096xi32, #tpu.memory_space<vmem>>
    %dma_start3A_14 = arith.constant 0 : i32
    %dma_start3A_15 = tpu.memref_slice %arg3[%dma_start3A_8, %dma_start3A_14] : memref<50x4096xi32, #tpu.memory_space<hbm>> -> memref<1x4096xi32, #tpu.memory_space<hbm>>
    %dma_start3A_16 = tpu.memref_squeeze %dma_start3A_15 : memref<1x4096xi32, #tpu.memory_space<hbm>> -> memref<4096xi32, #tpu.memory_space<hbm>>
    %dma_start3A_17 = tpu.memref_slice %arg9[%dma_start3A_10] : memref<2x!tpu.dma_semaphore, #tpu.memory_space<semaphore_mem>> -> memref<1x!tpu.dma_semaphore, #tpu.memory_space<semaphore_mem>>
    %dma_start3A_18 = tpu.memref_squeeze %dma_start3A_17 : memref<1x!tpu.dma_semaphore, #tpu.memory_space<semaphore_mem>> -> memref<!tpu.dma_semaphore, #tpu.memory_space<semaphore_mem>>
    %dma_start3A_19 = arith.constant 0 : i32
    %dma_start3A_20 = tpu.memref_slice %arg6[%dma_start3A_9, %dma_start3A_19] : memref<2x4096xi32, #tpu.memory_space<vmem>> -> memref<1x4096xi32, #tpu.memory_space<vmem>>
    %dma_start3A_21 = tpu.memref_squeeze %dma_start3A_20 : memref<1x4096xi32, #tpu.memory_space<vmem>> -> memref<4096xi32, #tpu.memory_space<vmem>>
    %dma_start3A_22 = arith.constant 0 : i32
    %dma_start3A_23 = tpu.memref_slice %arg3[%dma_start3A_8, %dma_start3A_22] : memref<50x4096xi32, #tpu.memory_space<hbm>> -> memref<1x4096xi32, #tpu.memory_space<hbm>>
    %dma_start3A_24 = tpu.memref_squeeze %dma_start3A_23 : memref<1x4096xi32, #tpu.memory_space<hbm>> -> memref<4096xi32, #tpu.memory_space<hbm>>
    tpu.enqueue_dma source(%dma_start3A_24 : memref<4096xi32, #tpu.memory_space<hbm>>) target(%dma_start3A_21 : memref<4096xi32, #tpu.memory_space<vmem>>) target_semaphore(%dma_start3A_18 : memref<!tpu.dma_semaphore, #tpu.memory_space<semaphore_mem>>)
    %dma_start3A_25 = arith.constant 1 : i32
    %dma_start3A_26 = arith.constant 1 : i32
    %dma_start3A_27 = arith.constant 1 : i32
    %dma_start3A_28 = arith.constant 0 : i32
    %dma_start3A_29 = tpu.memref_slice %arg6[%dma_start3A_26, %dma_start3A_28] : memref<2x4096xi32, #tpu.memory_space<vmem>> -> memref<1x4096xi32, #tpu.memory_space<vmem>>
    %dma_start3A_30 = tpu.memref_squeeze %dma_start3A_29 : memref<1x4096xi32, #tpu.memory_space<vmem>> -> memref<4096xi32, #tpu.memory_space<vmem>>
    %dma_start3A_31 = arith.constant 0 : i32
    %dma_start3A_32 = tpu.memref_slice %arg3[%dma_start3A_25, %dma_start3A_31] : memref<50x4096xi32, #tpu.memory_space<hbm>> -> memref<1x4096xi32, #tpu.memory_space<hbm>>
    %dma_start3A_33 = tpu.memref_squeeze %dma_start3A_32 : memref<1x4096xi32, #tpu.memory_space<hbm>> -> memref<4096xi32, #tpu.memory_space<hbm>>
    %dma_start3A_34 = tpu.memref_slice %arg9[%dma_start3A_27] : memref<2x!tpu.dma_semaphore, #tpu.memory_space<semaphore_mem>> -> memref<1x!tpu.dma_semaphore, #tpu.memory_space<semaphore_mem>>
    %dma_start3A_35 = tpu.memref_squeeze %dma_start3A_34 : memref<1x!tpu.dma_semaphore, #tpu.memory_space<semaphore_mem>> -> memref<!tpu.dma_semaphore, #tpu.memory_space<semaphore_mem>>
    %dma_start3A_36 = arith.constant 0 : i32
    %dma_start3A_37 = tpu.memref_slice %arg6[%dma_start3A_26, %dma_start3A_36] : memref<2x4096xi32, #tpu.memory_space<vmem>> -> memref<1x4096xi32, #tpu.memory_space<vmem>>
    %dma_start3A_38 = tpu.memref_squeeze %dma_start3A_37 : memref<1x4096xi32, #tpu.memory_space<vmem>> -> memref<4096xi32, #tpu.memory_space<vmem>>
    %dma_start3A_39 = arith.constant 0 : i32
    %dma_start3A_40 = tpu.memref_slice %arg3[%dma_start3A_25, %dma_start3A_39] : memref<50x4096xi32, #tpu.memory_space<hbm>> -> memref<1x4096xi32, #tpu.memory_space<hbm>>
    %dma_start3A_41 = tpu.memref_squeeze %dma_start3A_40 : memref<1x4096xi32, #tpu.memory_space<hbm>> -> memref<4096xi32, #tpu.memory_space<hbm>>
    tpu.enqueue_dma source(%dma_start3A_41 : memref<4096xi32, #tpu.memory_space<hbm>>) target(%dma_start3A_38 : memref<4096xi32, #tpu.memory_space<vmem>>) target_semaphore(%dma_start3A_35 : memref<!tpu.dma_semaphore, #tpu.memory_space<semaphore_mem>>)
    %add3A_42 = arith.constant 0 : i32
    %add3A_43 = arith.addi %mul3A_2, %add3A_42 : i32
    %dma_wait3A = arith.constant 0 : i32
    %dma_wait3A_44 = tpu.memref_slice %arg2[%add3A_43, %dma_wait3A] : memref<64x100000xf32, #tpu.memory_space<hbm>> -> memref<1x100000xf32, #tpu.memory_space<hbm>>
    %dma_wait3A_45 = tpu.memref_squeeze %dma_wait3A_44 : memref<1x100000xf32, #tpu.memory_space<hbm>> -> memref<100000xf32, #tpu.memory_space<hbm>>
    %dma_wait3A_46 = arith.constant 0 : i32
    %dma_wait3A_47 = tpu.memref_slice %arg2[%add3A_43, %dma_wait3A_46] : memref<64x100000xf32, #tpu.memory_space<hbm>> -> memref<1x100000xf32, #tpu.memory_space<hbm>>
    %dma_wait3A_48 = tpu.memref_squeeze %dma_wait3A_47 : memref<1x100000xf32, #tpu.memory_space<hbm>> -> memref<100000xf32, #tpu.memory_space<hbm>>
    tpu.wait_dma2 semaphore(%arg8 : memref<!tpu.dma_semaphore, #tpu.memory_space<semaphore_mem>>) src(%dma_wait3A_48 : memref<100000xf32, #tpu.memory_space<hbm>>) dst(%arg5 : memref<100000xf32, #tpu.memory_space<vmem>>)
    %scan3A = arith.constant 0 : i32
    %scan3A_49 = arith.constant 25 : i32
    %scan3A_50 = arith.addi %scan3A, %scan3A_49 : i32
    %scan3A_51 = arith.constant 1 : i32
    scf.for %scan3A_180 = %scan3A to %scan3A_50 step %scan3A_51  : i32 {
      %mul3A_181 = arith.constant 2 : i32
      %mul3A_182 = arith.muli %scan3A_180, %mul3A_181 : i32
      %add3A_183 = arith.constant 0 : i32
      %add3A_184 = arith.addi %add3A_183, %mul3A_182 : i32
      %add3A_185 = arith.constant 0 : i32
      %add3A_186 = arith.addi %add3A_184, %add3A_185 : i32
      %dma_wait3A_187 = arith.constant 0 : i32
      %dma_wait3A_188 = arith.constant 0 : i32
      %dma_wait3A_189 = arith.constant 0 : i32
      %dma_wait3A_190 = arith.constant 0 : i32
      %dma_wait3A_191 = tpu.memref_slice %arg6[%dma_wait3A_188, %dma_wait3A_190] : memref<2x4096xi32, #tpu.memory_space<vmem>> -> memref<1x4096xi32, #tpu.memory_space<vmem>>
      %dma_wait3A_192 = tpu.memref_squeeze %dma_wait3A_191 : memref<1x4096xi32, #tpu.memory_space<vmem>> -> memref<4096xi32, #tpu.memory_space<vmem>>
      %dma_wait3A_193 = arith.constant 0 : i32
      %dma_wait3A_194 = tpu.memref_slice %arg3[%dma_wait3A_187, %dma_wait3A_193] : memref<50x4096xi32, #tpu.memory_space<hbm>> -> memref<1x4096xi32, #tpu.memory_space<hbm>>
      %dma_wait3A_195 = tpu.memref_squeeze %dma_wait3A_194 : memref<1x4096xi32, #tpu.memory_space<hbm>> -> memref<4096xi32, #tpu.memory_space<hbm>>
      %dma_wait3A_196 = tpu.memref_slice %arg9[%dma_wait3A_189] : memref<2x!tpu.dma_semaphore, #tpu.memory_space<semaphore_mem>> -> memref<1x!tpu.dma_semaphore, #tpu.memory_space<semaphore_mem>>
      %dma_wait3A_197 = tpu.memref_squeeze %dma_wait3A_196 : memref<1x!tpu.dma_semaphore, #tpu.memory_space<semaphore_mem>> -> memref<!tpu.dma_semaphore, #tpu.memory_space<semaphore_mem>>
      %dma_wait3A_198 = arith.constant 0 : i32
      %dma_wait3A_199 = tpu.memref_slice %arg6[%dma_wait3A_188, %dma_wait3A_198] : memref<2x4096xi32, #tpu.memory_space<vmem>> -> memref<1x4096xi32, #tpu.memory_space<vmem>>
      %dma_wait3A_200 = tpu.memref_squeeze %dma_wait3A_199 : memref<1x4096xi32, #tpu.memory_space<vmem>> -> memref<4096xi32, #tpu.memory_space<vmem>>
      %dma_wait3A_201 = arith.constant 0 : i32
      %dma_wait3A_202 = tpu.memref_slice %arg3[%dma_wait3A_187, %dma_wait3A_201] : memref<50x4096xi32, #tpu.memory_space<hbm>> -> memref<1x4096xi32, #tpu.memory_space<hbm>>
      %dma_wait3A_203 = tpu.memref_squeeze %dma_wait3A_202 : memref<1x4096xi32, #tpu.memory_space<hbm>> -> memref<4096xi32, #tpu.memory_space<hbm>>
      tpu.wait_dma2 semaphore(%dma_wait3A_197 : memref<!tpu.dma_semaphore, #tpu.memory_space<semaphore_mem>>) src(%dma_wait3A_203 : memref<4096xi32, #tpu.memory_space<hbm>>) dst(%dma_wait3A_200 : memref<4096xi32, #tpu.memory_space<vmem>>)
      %ge3A = arith.constant 2 : i32
      %ge3A_204 = arith.cmpi sge, %add3A_186, %ge3A : i32
      %convert_element_type3A = arith.extui %ge3A_204 : i1 to i32
      %cond3A = arith.constant 0 : i32
      %cond3A_205 = arith.cmpi ne, %convert_element_type3A, %cond3A : i32
      scf.if %cond3A_205 {
        %dma_wait3A_280 = arith.constant 0 : i32
        %dma_wait3A_281 = arith.constant 0 : i32
        %dma_wait3A_282 = arith.constant 0 : i32
        %dma_wait3A_283 = arith.constant 0 : i32
        %dma_wait3A_284 = arith.constant 0 : i32
        %dma_wait3A_285 = tpu.memref_slice %arg7[%dma_wait3A_280, %dma_wait3A_284] : memref<2x4096xf32, #tpu.memory_space<vmem>> -> memref<1x4096xf32, #tpu.memory_space<vmem>>
        %dma_wait3A_286 = tpu.memref_squeeze %dma_wait3A_285 : memref<1x4096xf32, #tpu.memory_space<vmem>> -> memref<4096xf32, #tpu.memory_space<vmem>>
        %dma_wait3A_287 = arith.constant 0 : i32
        %dma_wait3A_288 = tpu.memref_slice %arg4[%dma_wait3A_281, %dma_wait3A_282, %dma_wait3A_287] : memref<50x64x4096xf32, #tpu.memory_space<hbm>> -> memref<1x1x4096xf32, #tpu.memory_space<hbm>>
        %dma_wait3A_289 = tpu.memref_squeeze %dma_wait3A_288 : memref<1x1x4096xf32, #tpu.memory_space<hbm>> -> memref<4096xf32, #tpu.memory_space<hbm>>
        %dma_wait3A_290 = tpu.memref_slice %arg10[%dma_wait3A_283] : memref<2x!tpu.dma_semaphore, #tpu.memory_space<semaphore_mem>> -> memref<1x!tpu.dma_semaphore, #tpu.memory_space<semaphore_mem>>
        %dma_wait3A_291 = tpu.memref_squeeze %dma_wait3A_290 : memref<1x!tpu.dma_semaphore, #tpu.memory_space<semaphore_mem>> -> memref<!tpu.dma_semaphore, #tpu.memory_space<semaphore_mem>>
        %dma_wait3A_292 = arith.constant 0 : i32
        %dma_wait3A_293 = tpu.memref_slice %arg4[%dma_wait3A_281, %dma_wait3A_282, %dma_wait3A_292] : memref<50x64x4096xf32, #tpu.memory_space<hbm>> -> memref<1x1x4096xf32, #tpu.memory_space<hbm>>
        %dma_wait3A_294 = tpu.memref_squeeze %dma_wait3A_293 : memref<1x1x4096xf32, #tpu.memory_space<hbm>> -> memref<4096xf32, #tpu.memory_space<hbm>>
        %dma_wait3A_295 = arith.constant 0 : i32
        %dma_wait3A_296 = tpu.memref_slice %arg7[%dma_wait3A_280, %dma_wait3A_295] : memref<2x4096xf32, #tpu.memory_space<vmem>> -> memref<1x4096xf32, #tpu.memory_space<vmem>>
        %dma_wait3A_297 = tpu.memref_squeeze %dma_wait3A_296 : memref<1x4096xf32, #tpu.memory_space<vmem>> -> memref<4096xf32, #tpu.memory_space<vmem>>
        tpu.wait_dma2 semaphore(%dma_wait3A_291 : memref<!tpu.dma_semaphore, #tpu.memory_space<semaphore_mem>>) src(%dma_wait3A_297 : memref<4096xf32, #tpu.memory_space<vmem>>) dst(%dma_wait3A_294 : memref<4096xf32, #tpu.memory_space<hbm>>)
      } else {
      }
      %parallel_loop3A = arith.constant 0 : i32
      %parallel_loop3A_206 = arith.constant 256 : i32
      %parallel_loop3A_207 = arith.constant 1 : i32
      scf.for %parallel_loop3A_280 = %parallel_loop3A to %parallel_loop3A_206 step %parallel_loop3A_207  : i32 {
        %parallel_loop3A_281 = arith.constant 16 : i32
        %parallel_loop3A_282 = arith.muli %parallel_loop3A_280, %parallel_loop3A_281 : i32
        %parallel_loop3A_283 = arith.constant 0 : i32
        %parallel_loop3A_284 = arith.index_cast %parallel_loop3A_283 : i32 to index
        %parallel_loop3A_285 = arith.index_cast %parallel_loop3A_282 : i32 to index
        %parallel_loop3A_286 = tpu.vector_load %arg6[%parallel_loop3A_284, %parallel_loop3A_285] {strides = array<i32>} : memref<2x4096xi32, #tpu.memory_space<vmem>>, vector<16xi32>,
        %parallel_loop3A_287 = tpu.vector_load_idx %arg5[%parallel_loop3A_286] : memref<100000xf32, #tpu.memory_space<vmem>>[vector<16xi32>], vector<16xf32>,
        %parallel_loop3A_288 = arith.constant 16 : i32
        %parallel_loop3A_289 = arith.muli %parallel_loop3A_280, %parallel_loop3A_288 : i32
        %parallel_loop3A_290 = arith.constant 0 : i32
        %parallel_loop3A_291 = arith.index_cast %parallel_loop3A_290 : i32 to index
        %parallel_loop3A_292 = arith.index_cast %parallel_loop3A_289 : i32 to index
        %parallel_loop3A_293 = tpu.vector_load %arg7[%parallel_loop3A_291, %parallel_loop3A_292] {strides = array<i32>} : memref<2x4096xf32, #tpu.memory_space<vmem>>, vector<16xf32>,
        tpu.vector_store %arg7[%parallel_loop3A_291, %parallel_loop3A_292], %parallel_loop3A_287 {strides = array<i32>} : memref<2x4096xf32, #tpu.memory_space<vmem>>, vector<16xf32>,
      } {sc.loop_unroll_factor = 32 : i64, sc.parallel_access}
      %add3A_208 = arith.constant 2 : i32
      %add3A_209 = arith.addi %add3A_186, %add3A_208 : i32
      %lt3A = arith.constant 50 : i32
      %lt3A_210 = arith.cmpi slt, %add3A_209, %lt3A : i32
      %convert_element_type3A_211 = arith.extui %lt3A_210 : i1 to i32
      %cond3A_212 = arith.constant 0 : i32
      %cond3A_213 = arith.cmpi ne, %convert_element_type3A_211, %cond3A_212 : i32
      scf.if %cond3A_213 {
        %add3A_280 = arith.constant 2 : i32
        %add3A_281 = arith.addi %add3A_186, %add3A_280 : i32
        %dma_start3A_282 = arith.constant 0 : i32
        %dma_start3A_283 = arith.constant 0 : i32
        %dma_start3A_284 = arith.constant 0 : i32
        %dma_start3A_285 = tpu.memref_slice %arg6[%dma_start3A_282, %dma_start3A_284] : memref<2x4096xi32, #tpu.memory_space<vmem>> -> memref<1x4096xi32, #tpu.memory_space<vmem>>
        %dma_start3A_286 = tpu.memref_squeeze %dma_start3A_285 : memref<1x4096xi32, #tpu.memory_space<vmem>> -> memref<4096xi32, #tpu.memory_space<vmem>>
        %dma_start3A_287 = arith.constant 0 : i32
        %dma_start3A_288 = tpu.memref_slice %arg3[%add3A_281, %dma_start3A_287] : memref<50x4096xi32, #tpu.memory_space<hbm>> -> memref<1x4096xi32, #tpu.memory_space<hbm>>
        %dma_start3A_289 = tpu.memref_squeeze %dma_start3A_288 : memref<1x4096xi32, #tpu.memory_space<hbm>> -> memref<4096xi32, #tpu.memory_space<hbm>>
        %dma_start3A_290 = tpu.memref_slice %arg9[%dma_start3A_283] : memref<2x!tpu.dma_semaphore, #tpu.memory_space<semaphore_mem>> -> memref<1x!tpu.dma_semaphore, #tpu.memory_space<semaphore_mem>>
        %dma_start3A_291 = tpu.memref_squeeze %dma_start3A_290 : memref<1x!tpu.dma_semaphore, #tpu.memory_space<semaphore_mem>> -> memref<!tpu.dma_semaphore, #tpu.memory_space<semaphore_mem>>
        %dma_start3A_292 = arith.constant 0 : i32
        %dma_start3A_293 = tpu.memref_slice %arg6[%dma_start3A_282, %dma_start3A_292] : memref<2x4096xi32, #tpu.memory_space<vmem>> -> memref<1x4096xi32, #tpu.memory_space<vmem>>
        %dma_start3A_294 = tpu.memref_squeeze %dma_start3A_293 : memref<1x4096xi32, #tpu.memory_space<vmem>> -> memref<4096xi32, #tpu.memory_space<vmem>>
        %dma_start3A_295 = arith.constant 0 : i32
        %dma_start3A_296 = tpu.memref_slice %arg3[%add3A_281, %dma_start3A_295] : memref<50x4096xi32, #tpu.memory_space<hbm>> -> memref<1x4096xi32, #tpu.memory_space<hbm>>
        %dma_start3A_297 = tpu.memref_squeeze %dma_start3A_296 : memref<1x4096xi32, #tpu.memory_space<hbm>> -> memref<4096xi32, #tpu.memory_space<hbm>>
        tpu.enqueue_dma source(%dma_start3A_297 : memref<4096xi32, #tpu.memory_space<hbm>>) target(%dma_start3A_294 : memref<4096xi32, #tpu.memory_space<vmem>>) target_semaphore(%dma_start3A_291 : memref<!tpu.dma_semaphore, #tpu.memory_space<semaphore_mem>>)
      } else {
      }
      %dma_start3A_214 = arith.constant 0 : i32
      %dma_start3A_215 = arith.constant 0 : i32
      %dma_start3A_216 = arith.constant 0 : i32
      %dma_start3A_217 = tpu.memref_slice %arg7[%dma_start3A_214, %dma_start3A_216] : memref<2x4096xf32, #tpu.memory_space<vmem>> -> memref<1x4096xf32, #tpu.memory_space<vmem>>
      %dma_start3A_218 = tpu.memref_squeeze %dma_start3A_217 : memref<1x4096xf32, #tpu.memory_space<vmem>> -> memref<4096xf32, #tpu.memory_space<vmem>>
      %dma_start3A_219 = arith.constant 0 : i32
      %dma_start3A_220 = tpu.memref_slice %arg4[%add3A_186, %add3A_43, %dma_start3A_219] : memref<50x64x4096xf32, #tpu.memory_space<hbm>> -> memref<1x1x4096xf32, #tpu.memory_space<hbm>>
      %dma_start3A_221 = tpu.memref_squeeze %dma_start3A_220 : memref<1x1x4096xf32, #tpu.memory_space<hbm>> -> memref<4096xf32, #tpu.memory_space<hbm>>
      %dma_start3A_222 = tpu.memref_slice %arg10[%dma_start3A_215] : memref<2x!tpu.dma_semaphore, #tpu.memory_space<semaphore_mem>> -> memref<1x!tpu.dma_semaphore, #tpu.memory_space<semaphore_mem>>
      %dma_start3A_223 = tpu.memref_squeeze %dma_start3A_222 : memref<1x!tpu.dma_semaphore, #tpu.memory_space<semaphore_mem>> -> memref<!tpu.dma_semaphore, #tpu.memory_space<semaphore_mem>>
      %dma_start3A_224 = arith.constant 0 : i32
      %dma_start3A_225 = tpu.memref_slice %arg4[%add3A_186, %add3A_43, %dma_start3A_224] : memref<50x64x4096xf32, #tpu.memory_space<hbm>> -> memref<1x1x4096xf32, #tpu.memory_space<hbm>>
      %dma_start3A_226 = tpu.memref_squeeze %dma_start3A_225 : memref<1x1x4096xf32, #tpu.memory_space<hbm>> -> memref<4096xf32, #tpu.memory_space<hbm>>
      %dma_start3A_227 = arith.constant 0 : i32
      %dma_start3A_228 = tpu.memref_slice %arg7[%dma_start3A_214, %dma_start3A_227] : memref<2x4096xf32, #tpu.memory_space<vmem>> -> memref<1x4096xf32, #tpu.memory_space<vmem>>
      %dma_start3A_229 = tpu.memref_squeeze %dma_start3A_228 : memref<1x4096xf32, #tpu.memory_space<vmem>> -> memref<4096xf32, #tpu.memory_space<vmem>>
      tpu.enqueue_dma source(%dma_start3A_229 : memref<4096xf32, #tpu.memory_space<vmem>>) target(%dma_start3A_226 : memref<4096xf32, #tpu.memory_space<hbm>>) target_semaphore(%dma_start3A_223 : memref<!tpu.dma_semaphore, #tpu.memory_space<semaphore_mem>>)
      %add3A_230 = arith.constant 1 : i32
      %add3A_231 = arith.addi %add3A_184, %add3A_230 : i32
      %dma_wait3A_232 = arith.constant 0 : i32
      %dma_wait3A_233 = arith.constant 1 : i32
      %dma_wait3A_234 = arith.constant 1 : i32
      %dma_wait3A_235 = arith.constant 0 : i32
      %dma_wait3A_236 = tpu.memref_slice %arg6[%dma_wait3A_233, %dma_wait3A_235] : memref<2x4096xi32, #tpu.memory_space<vmem>> -> memref<1x4096xi32, #tpu.memory_space<vmem>>
      %dma_wait3A_237 = tpu.memref_squeeze %dma_wait3A_236 : memref<1x4096xi32, #tpu.memory_space<vmem>> -> memref<4096xi32, #tpu.memory_space<vmem>>
      %dma_wait3A_238 = arith.constant 0 : i32
      %dma_wait3A_239 = tpu.memref_slice %arg3[%dma_wait3A_232, %dma_wait3A_238] : memref<50x4096xi32, #tpu.memory_space<hbm>> -> memref<1x4096xi32, #tpu.memory_space<hbm>>
      %dma_wait3A_240 = tpu.memref_squeeze %dma_wait3A_239 : memref<1x4096xi32, #tpu.memory_space<hbm>> -> memref<4096xi32, #tpu.memory_space<hbm>>
      %dma_wait3A_241 = tpu.memref_slice %arg9[%dma_wait3A_234] : memref<2x!tpu.dma_semaphore, #tpu.memory_space<semaphore_mem>> -> memref<1x!tpu.dma_semaphore, #tpu.memory_space<semaphore_mem>>
      %dma_wait3A_242 = tpu.memref_squeeze %dma_wait3A_241 : memref<1x!tpu.dma_semaphore, #tpu.memory_space<semaphore_mem>> -> memref<!tpu.dma_semaphore, #tpu.memory_space<semaphore_mem>>
      %dma_wait3A_243 = arith.constant 0 : i32
      %dma_wait3A_244 = tpu.memref_slice %arg6[%dma_wait3A_233, %dma_wait3A_243] : memref<2x4096xi32, #tpu.memory_space<vmem>> -> memref<1x4096xi32, #tpu.memory_space<vmem>>
      %dma_wait3A_245 = tpu.memref_squeeze %dma_wait3A_244 : memref<1x4096xi32, #tpu.memory_space<vmem>> -> memref<4096xi32, #tpu.memory_space<vmem>>
      %dma_wait3A_246 = arith.constant 0 : i32
      %dma_wait3A_247 = tpu.memref_slice %arg3[%dma_wait3A_232, %dma_wait3A_246] : memref<50x4096xi32, #tpu.memory_space<hbm>> -> memref<1x4096xi32, #tpu.memory_space<hbm>>
      %dma_wait3A_248 = tpu.memref_squeeze %dma_wait3A_247 : memref<1x4096xi32, #tpu.memory_space<hbm>> -> memref<4096xi32, #tpu.memory_space<hbm>>
      tpu.wait_dma2 semaphore(%dma_wait3A_242 : memref<!tpu.dma_semaphore, #tpu.memory_space<semaphore_mem>>) src(%dma_wait3A_248 : memref<4096xi32, #tpu.memory_space<hbm>>) dst(%dma_wait3A_245 : memref<4096xi32, #tpu.memory_space<vmem>>)
      %ge3A_249 = arith.constant 2 : i32
      %ge3A_250 = arith.cmpi sge, %add3A_231, %ge3A_249 : i32
      %convert_element_type3A_251 = arith.extui %ge3A_250 : i1 to i32
      %cond3A_252 = arith.constant 0 : i32
      %cond3A_253 = arith.cmpi ne, %convert_element_type3A_251, %cond3A_252 : i32
      scf.if %cond3A_253 {
        %dma_wait3A_280 = arith.constant 1 : i32
        %dma_wait3A_281 = arith.constant 0 : i32
        %dma_wait3A_282 = arith.constant 0 : i32
        %dma_wait3A_283 = arith.constant 1 : i32
        %dma_wait3A_284 = arith.constant 0 : i32
        %dma_wait3A_285 = tpu.memref_slice %arg7[%dma_wait3A_280, %dma_wait3A_284] : memref<2x4096xf32, #tpu.memory_space<vmem>> -> memref<1x4096xf32, #tpu.memory_space<vmem>>
        %dma_wait3A_286 = tpu.memref_squeeze %dma_wait3A_285 : memref<1x4096xf32, #tpu.memory_space<vmem>> -> memref<4096xf32, #tpu.memory_space<vmem>>
        %dma_wait3A_287 = arith.constant 0 : i32
        %dma_wait3A_288 = tpu.memref_slice %arg4[%dma_wait3A_281, %dma_wait3A_282, %dma_wait3A_287] : memref<50x64x4096xf32, #tpu.memory_space<hbm>> -> memref<1x1x4096xf32, #tpu.memory_space<hbm>>
        %dma_wait3A_289 = tpu.memref_squeeze %dma_wait3A_288 : memref<1x1x4096xf32, #tpu.memory_space<hbm>> -> memref<4096xf32, #tpu.memory_space<hbm>>
        %dma_wait3A_290 = tpu.memref_slice %arg10[%dma_wait3A_283] : memref<2x!tpu.dma_semaphore, #tpu.memory_space<semaphore_mem>> -> memref<1x!tpu.dma_semaphore, #tpu.memory_space<semaphore_mem>>
        %dma_wait3A_291 = tpu.memref_squeeze %dma_wait3A_290 : memref<1x!tpu.dma_semaphore, #tpu.memory_space<semaphore_mem>> -> memref<!tpu.dma_semaphore, #tpu.memory_space<semaphore_mem>>
        %dma_wait3A_292 = arith.constant 0 : i32
        %dma_wait3A_293 = tpu.memref_slice %arg4[%dma_wait3A_281, %dma_wait3A_282, %dma_wait3A_292] : memref<50x64x4096xf32, #tpu.memory_space<hbm>> -> memref<1x1x4096xf32, #tpu.memory_space<hbm>>
        %dma_wait3A_294 = tpu.memref_squeeze %dma_wait3A_293 : memref<1x1x4096xf32, #tpu.memory_space<hbm>> -> memref<4096xf32, #tpu.memory_space<hbm>>
        %dma_wait3A_295 = arith.constant 0 : i32
        %dma_wait3A_296 = tpu.memref_slice %arg7[%dma_wait3A_280, %dma_wait3A_295] : memref<2x4096xf32, #tpu.memory_space<vmem>> -> memref<1x4096xf32, #tpu.memory_space<vmem>>
        %dma_wait3A_297 = tpu.memref_squeeze %dma_wait3A_296 : memref<1x4096xf32, #tpu.memory_space<vmem>> -> memref<4096xf32, #tpu.memory_space<vmem>>
        tpu.wait_dma2 semaphore(%dma_wait3A_291 : memref<!tpu.dma_semaphore, #tpu.memory_space<semaphore_mem>>) src(%dma_wait3A_297 : memref<4096xf32, #tpu.memory_space<vmem>>) dst(%dma_wait3A_294 : memref<4096xf32, #tpu.memory_space<hbm>>)
      } else {
      }
      %parallel_loop3A_254 = arith.constant 0 : i32
      %parallel_loop3A_255 = arith.constant 256 : i32
      %parallel_loop3A_256 = arith.constant 1 : i32
      scf.for %parallel_loop3A_280 = %parallel_loop3A_254 to %parallel_loop3A_255 step %parallel_loop3A_256  : i32 {
        %parallel_loop3A_281 = arith.constant 16 : i32
        %parallel_loop3A_282 = arith.muli %parallel_loop3A_280, %parallel_loop3A_281 : i32
        %parallel_loop3A_283 = arith.constant 1 : i32
        %parallel_loop3A_284 = arith.index_cast %parallel_loop3A_283 : i32 to index
        %parallel_loop3A_285 = arith.index_cast %parallel_loop3A_282 : i32 to index
        %parallel_loop3A_286 = tpu.vector_load %arg6[%parallel_loop3A_284, %parallel_loop3A_285] {strides = array<i32>} : memref<2x4096xi32, #tpu.memory_space<vmem>>, vector<16xi32>,
        %parallel_loop3A_287 = tpu.vector_load_idx %arg5[%parallel_loop3A_286] : memref<100000xf32, #tpu.memory_space<vmem>>[vector<16xi32>], vector<16xf32>,
        %parallel_loop3A_288 = arith.constant 16 : i32
        %parallel_loop3A_289 = arith.muli %parallel_loop3A_280, %parallel_loop3A_288 : i32
        %parallel_loop3A_290 = arith.constant 1 : i32
        %parallel_loop3A_291 = arith.index_cast %parallel_loop3A_290 : i32 to index
        %parallel_loop3A_292 = arith.index_cast %parallel_loop3A_289 : i32 to index
        %parallel_loop3A_293 = tpu.vector_load %arg7[%parallel_loop3A_291, %parallel_loop3A_292] {strides = array<i32>} : memref<2x4096xf32, #tpu.memory_space<vmem>>, vector<16xf32>,
        tpu.vector_store %arg7[%parallel_loop3A_291, %parallel_loop3A_292], %parallel_loop3A_287 {strides = array<i32>} : memref<2x4096xf32, #tpu.memory_space<vmem>>, vector<16xf32>,
      } {sc.loop_unroll_factor = 32 : i64, sc.parallel_access}
      %add3A_257 = arith.constant 2 : i32
      %add3A_258 = arith.addi %add3A_231, %add3A_257 : i32
      %lt3A_259 = arith.constant 50 : i32
      %lt3A_260 = arith.cmpi slt, %add3A_258, %lt3A_259 : i32
      %convert_element_type3A_261 = arith.extui %lt3A_260 : i1 to i32
      %cond3A_262 = arith.constant 0 : i32
      %cond3A_263 = arith.cmpi ne, %convert_element_type3A_261, %cond3A_262 : i32
      scf.if %cond3A_263 {
        %add3A_280 = arith.constant 2 : i32
        %add3A_281 = arith.addi %add3A_231, %add3A_280 : i32
        %dma_start3A_282 = arith.constant 1 : i32
        %dma_start3A_283 = arith.constant 1 : i32
        %dma_start3A_284 = arith.constant 0 : i32
        %dma_start3A_285 = tpu.memref_slice %arg6[%dma_start3A_282, %dma_start3A_284] : memref<2x4096xi32, #tpu.memory_space<vmem>> -> memref<1x4096xi32, #tpu.memory_space<vmem>>
        %dma_start3A_286 = tpu.memref_squeeze %dma_start3A_285 : memref<1x4096xi32, #tpu.memory_space<vmem>> -> memref<4096xi32, #tpu.memory_space<vmem>>
        %dma_start3A_287 = arith.constant 0 : i32
        %dma_start3A_288 = tpu.memref_slice %arg3[%add3A_281, %dma_start3A_287] : memref<50x4096xi32, #tpu.memory_space<hbm>> -> memref<1x4096xi32, #tpu.memory_space<hbm>>
        %dma_start3A_289 = tpu.memref_squeeze %dma_start3A_288 : memref<1x4096xi32, #tpu.memory_space<hbm>> -> memref<4096xi32, #tpu.memory_space<hbm>>
        %dma_start3A_290 = tpu.memref_slice %arg9[%dma_start3A_283] : memref<2x!tpu.dma_semaphore, #tpu.memory_space<semaphore_mem>> -> memref<1x!tpu.dma_semaphore, #tpu.memory_space<semaphore_mem>>
        %dma_start3A_291 = tpu.memref_squeeze %dma_start3A_290 : memref<1x!tpu.dma_semaphore, #tpu.memory_space<semaphore_mem>> -> memref<!tpu.dma_semaphore, #tpu.memory_space<semaphore_mem>>
        %dma_start3A_292 = arith.constant 0 : i32
        %dma_start3A_293 = tpu.memref_slice %arg6[%dma_start3A_282, %dma_start3A_292] : memref<2x4096xi32, #tpu.memory_space<vmem>> -> memref<1x4096xi32, #tpu.memory_space<vmem>>
        %dma_start3A_294 = tpu.memref_squeeze %dma_start3A_293 : memref<1x4096xi32, #tpu.memory_space<vmem>> -> memref<4096xi32, #tpu.memory_space<vmem>>
        %dma_start3A_295 = arith.constant 0 : i32
        %dma_start3A_296 = tpu.memref_slice %arg3[%add3A_281, %dma_start3A_295] : memref<50x4096xi32, #tpu.memory_space<hbm>> -> memref<1x4096xi32, #tpu.memory_space<hbm>>
        %dma_start3A_297 = tpu.memref_squeeze %dma_start3A_296 : memref<1x4096xi32, #tpu.memory_space<hbm>> -> memref<4096xi32, #tpu.memory_space<hbm>>
        tpu.enqueue_dma source(%dma_start3A_297 : memref<4096xi32, #tpu.memory_space<hbm>>) target(%dma_start3A_294 : memref<4096xi32, #tpu.memory_space<vmem>>) target_semaphore(%dma_start3A_291 : memref<!tpu.dma_semaphore, #tpu.memory_space<semaphore_mem>>)
      } else {
      }
      %dma_start3A_264 = arith.constant 1 : i32
      %dma_start3A_265 = arith.constant 1 : i32
      %dma_start3A_266 = arith.constant 0 : i32
      %dma_start3A_267 = tpu.memref_slice %arg7[%dma_start3A_264, %dma_start3A_266] : memref<2x4096xf32, #tpu.memory_space<vmem>> -> memref<1x4096xf32, #tpu.memory_space<vmem>>
      %dma_start3A_268 = tpu.memref_squeeze %dma_start3A_267 : memref<1x4096xf32, #tpu.memory_space<vmem>> -> memref<4096xf32, #tpu.memory_space<vmem>>
      %dma_start3A_269 = arith.constant 0 : i32
      %dma_start3A_270 = tpu.memref_slice %arg4[%add3A_231, %add3A_43, %dma_start3A_269] : memref<50x64x4096xf32, #tpu.memory_space<hbm>> -> memref<1x1x4096xf32, #tpu.memory_space<hbm>>
      %dma_start3A_271 = tpu.memref_squeeze %dma_start3A_270 : memref<1x1x4096xf32, #tpu.memory_space<hbm>> -> memref<4096xf32, #tpu.memory_space<hbm>>
      %dma_start3A_272 = tpu.memref_slice %arg10[%dma_start3A_265] : memref<2x!tpu.dma_semaphore, #tpu.memory_space<semaphore_mem>> -> memref<1x!tpu.dma_semaphore, #tpu.memory_space<semaphore_mem>>
      %dma_start3A_273 = tpu.memref_squeeze %dma_start3A_272 : memref<1x!tpu.dma_semaphore, #tpu.memory_space<semaphore_mem>> -> memref<!tpu.dma_semaphore, #tpu.memory_space<semaphore_mem>>
      %dma_start3A_274 = arith.constant 0 : i32
      %dma_start3A_275 = tpu.memref_slice %arg4[%add3A_231, %add3A_43, %dma_start3A_274] : memref<50x64x4096xf32, #tpu.memory_space<hbm>> -> memref<1x1x4096xf32, #tpu.memory_space<hbm>>
      %dma_start3A_276 = tpu.memref_squeeze %dma_start3A_275 : memref<1x1x4096xf32, #tpu.memory_space<hbm>> -> memref<4096xf32, #tpu.memory_space<hbm>>
      %dma_start3A_277 = arith.constant 0 : i32
      %dma_start3A_278 = tpu.memref_slice %arg7[%dma_start3A_264, %dma_start3A_277] : memref<2x4096xf32, #tpu.memory_space<vmem>> -> memref<1x4096xf32, #tpu.memory_space<vmem>>
      %dma_start3A_279 = tpu.memref_squeeze %dma_start3A_278 : memref<1x4096xf32, #tpu.memory_space<vmem>> -> memref<4096xf32, #tpu.memory_space<vmem>>
      tpu.enqueue_dma source(%dma_start3A_279 : memref<4096xf32, #tpu.memory_space<vmem>>) target(%dma_start3A_276 : memref<4096xf32, #tpu.memory_space<hbm>>) target_semaphore(%dma_start3A_273 : memref<!tpu.dma_semaphore, #tpu.memory_space<semaphore_mem>>)
    }
    %scan3A_52 = arith.constant 25 : i32
    %add3A_53 = arith.constant 1 : i32
    %add3A_54 = arith.addi %add3A_43, %add3A_53 : i32
    %dma_start3A_55 = arith.constant 0 : i32
    %dma_start3A_56 = tpu.memref_slice %arg2[%add3A_54, %dma_start3A_55] : memref<64x100000xf32, #tpu.memory_space<hbm>> -> memref<1x100000xf32, #tpu.memory_space<hbm>>
    %dma_start3A_57 = tpu.memref_squeeze %dma_start3A_56 : memref<1x100000xf32, #tpu.memory_space<hbm>> -> memref<100000xf32, #tpu.memory_space<hbm>>
    %dma_start3A_58 = arith.constant 0 : i32
    %dma_start3A_59 = tpu.memref_slice %arg2[%add3A_54, %dma_start3A_58] : memref<64x100000xf32, #tpu.memory_space<hbm>> -> memref<1x100000xf32, #tpu.memory_space<hbm>>
    %dma_start3A_60 = tpu.memref_squeeze %dma_start3A_59 : memref<1x100000xf32, #tpu.memory_space<hbm>> -> memref<100000xf32, #tpu.memory_space<hbm>>
    tpu.enqueue_dma source(%dma_start3A_60 : memref<100000xf32, #tpu.memory_space<hbm>>) target(%arg5 : memref<100000xf32, #tpu.memory_space<vmem>>) target_semaphore(%arg8 : memref<!tpu.dma_semaphore, #tpu.memory_space<semaphore_mem>>)
    %dma_start3A_61 = arith.constant 0 : i32
    %dma_start3A_62 = arith.constant 0 : i32
    %dma_start3A_63 = arith.constant 0 : i32
    %dma_start3A_64 = arith.constant 0 : i32
    %dma_start3A_65 = tpu.memref_slice %arg6[%dma_start3A_62, %dma_start3A_64] : memref<2x4096xi32, #tpu.memory_space<vmem>> -> memref<1x4096xi32, #tpu.memory_space<vmem>>
    %dma_start3A_66 = tpu.memref_squeeze %dma_start3A_65 : memref<1x4096xi32, #tpu.memory_space<vmem>> -> memref<4096xi32, #tpu.memory_space<vmem>>
    %dma_start3A_67 = arith.constant 0 : i32
    %dma_start3A_68 = tpu.memref_slice %arg3[%dma_start3A_61, %dma_start3A_67] : memref<50x4096xi32, #tpu.memory_space<hbm>> -> memref<1x4096xi32, #tpu.memory_space<hbm>>
    %dma_start3A_69 = tpu.memref_squeeze %dma_start3A_68 : memref<1x4096xi32, #tpu.memory_space<hbm>> -> memref<4096xi32, #tpu.memory_space<hbm>>
    %dma_start3A_70 = tpu.memref_slice %arg9[%dma_start3A_63] : memref<2x!tpu.dma_semaphore, #tpu.memory_space<semaphore_mem>> -> memref<1x!tpu.dma_semaphore, #tpu.memory_space<semaphore_mem>>
    %dma_start3A_71 = tpu.memref_squeeze %dma_start3A_70 : memref<1x!tpu.dma_semaphore, #tpu.memory_space<semaphore_mem>> -> memref<!tpu.dma_semaphore, #tpu.memory_space<semaphore_mem>>
    %dma_start3A_72 = arith.constant 0 : i32
    %dma_start3A_73 = tpu.memref_slice %arg6[%dma_start3A_62, %dma_start3A_72] : memref<2x4096xi32, #tpu.memory_space<vmem>> -> memref<1x4096xi32, #tpu.memory_space<vmem>>
    %dma_start3A_74 = tpu.memref_squeeze %dma_start3A_73 : memref<1x4096xi32, #tpu.memory_space<vmem>> -> memref<4096xi32, #tpu.memory_space<vmem>>
    %dma_start3A_75 = arith.constant 0 : i32
    %dma_start3A_76 = tpu.memref_slice %arg3[%dma_start3A_61, %dma_start3A_75] : memref<50x4096xi32, #tpu.memory_space<hbm>> -> memref<1x4096xi32, #tpu.memory_space<hbm>>
    %dma_start3A_77 = tpu.memref_squeeze %dma_start3A_76 : memref<1x4096xi32, #tpu.memory_space<hbm>> -> memref<4096xi32, #tpu.memory_space<hbm>>
    tpu.enqueue_dma source(%dma_start3A_77 : memref<4096xi32, #tpu.memory_space<hbm>>) target(%dma_start3A_74 : memref<4096xi32, #tpu.memory_space<vmem>>) target_semaphore(%dma_start3A_71 : memref<!tpu.dma_semaphore, #tpu.memory_space<semaphore_mem>>)
    %dma_start3A_78 = arith.constant 1 : i32
    %dma_start3A_79 = arith.constant 1 : i32
    %dma_start3A_80 = arith.constant 1 : i32
    %dma_start3A_81 = arith.constant 0 : i32
    %dma_start3A_82 = tpu.memref_slice %arg6[%dma_start3A_79, %dma_start3A_81] : memref<2x4096xi32, #tpu.memory_space<vmem>> -> memref<1x4096xi32, #tpu.memory_space<vmem>>
    %dma_start3A_83 = tpu.memref_squeeze %dma_start3A_82 : memref<1x4096xi32, #tpu.memory_space<vmem>> -> memref<4096xi32, #tpu.memory_space<vmem>>
    %dma_start3A_84 = arith.constant 0 : i32
    %dma_start3A_85 = tpu.memref_slice %arg3[%dma_start3A_78, %dma_start3A_84] : memref<50x4096xi32, #tpu.memory_space<hbm>> -> memref<1x4096xi32, #tpu.memory_space<hbm>>
    %dma_start3A_86 = tpu.memref_squeeze %dma_start3A_85 : memref<1x4096xi32, #tpu.memory_space<hbm>> -> memref<4096xi32, #tpu.memory_space<hbm>>
    %dma_start3A_87 = tpu.memref_slice %arg9[%dma_start3A_80] : memref<2x!tpu.dma_semaphore, #tpu.memory_space<semaphore_mem>> -> memref<1x!tpu.dma_semaphore, #tpu.memory_space<semaphore_mem>>
    %dma_start3A_88 = tpu.memref_squeeze %dma_start3A_87 : memref<1x!tpu.dma_semaphore, #tpu.memory_space<semaphore_mem>> -> memref<!tpu.dma_semaphore, #tpu.memory_space<semaphore_mem>>
    %dma_start3A_89 = arith.constant 0 : i32
    %dma_start3A_90 = tpu.memref_slice %arg6[%dma_start3A_79, %dma_start3A_89] : memref<2x4096xi32, #tpu.memory_space<vmem>> -> memref<1x4096xi32, #tpu.memory_space<vmem>>
    %dma_start3A_91 = tpu.memref_squeeze %dma_start3A_90 : memref<1x4096xi32, #tpu.memory_space<vmem>> -> memref<4096xi32, #tpu.memory_space<vmem>>
    %dma_start3A_92 = arith.constant 0 : i32
    %dma_start3A_93 = tpu.memref_slice %arg3[%dma_start3A_78, %dma_start3A_92] : memref<50x4096xi32, #tpu.memory_space<hbm>> -> memref<1x4096xi32, #tpu.memory_space<hbm>>
    %dma_start3A_94 = tpu.memref_squeeze %dma_start3A_93 : memref<1x4096xi32, #tpu.memory_space<hbm>> -> memref<4096xi32, #tpu.memory_space<hbm>>
    tpu.enqueue_dma source(%dma_start3A_94 : memref<4096xi32, #tpu.memory_space<hbm>>) target(%dma_start3A_91 : memref<4096xi32, #tpu.memory_space<vmem>>) target_semaphore(%dma_start3A_88 : memref<!tpu.dma_semaphore, #tpu.memory_space<semaphore_mem>>)
    %dma_wait3A_95 = arith.constant 0 : i32
    %dma_wait3A_96 = arith.constant 0 : i32
    %dma_wait3A_97 = arith.constant 0 : i32
    %dma_wait3A_98 = arith.constant 0 : i32
    %dma_wait3A_99 = arith.constant 0 : i32
    %dma_wait3A_100 = tpu.memref_slice %arg7[%dma_wait3A_95, %dma_wait3A_99] : memref<2x4096xf32, #tpu.memory_space<vmem>> -> memref<1x4096xf32, #tpu.memory_space<vmem>>
    %dma_wait3A_101 = tpu.memref_squeeze %dma_wait3A_100 : memref<1x4096xf32, #tpu.memory_space<vmem>> -> memref<4096xf32, #tpu.memory_space<vmem>>
    %dma_wait3A_102 = arith.constant 0 : i32
    %dma_wait3A_103 = tpu.memref_slice %arg4[%dma_wait3A_96, %dma_wait3A_97, %dma_wait3A_102] : memref<50x64x4096xf32, #tpu.memory_space<hbm>> -> memref<1x1x4096xf32, #tpu.memory_space<hbm>>
    %dma_wait3A_104 = tpu.memref_squeeze %dma_wait3A_103 : memref<1x1x4096xf32, #tpu.memory_space<hbm>> -> memref<4096xf32, #tpu.memory_space<hbm>>
    %dma_wait3A_105 = tpu.memref_slice %arg10[%dma_wait3A_98] : memref<2x!tpu.dma_semaphore, #tpu.memory_space<semaphore_mem>> -> memref<1x!tpu.dma_semaphore, #tpu.memory_space<semaphore_mem>>
    %dma_wait3A_106 = tpu.memref_squeeze %dma_wait3A_105 : memref<1x!tpu.dma_semaphore, #tpu.memory_space<semaphore_mem>> -> memref<!tpu.dma_semaphore, #tpu.memory_space<semaphore_mem>>
    %dma_wait3A_107 = arith.constant 0 : i32
    %dma_wait3A_108 = tpu.memref_slice %arg4[%dma_wait3A_96, %dma_wait3A_97, %dma_wait3A_107] : memref<50x64x4096xf32, #tpu.memory_space<hbm>> -> memref<1x1x4096xf32, #tpu.memory_space<hbm>>
    %dma_wait3A_109 = tpu.memref_squeeze %dma_wait3A_108 : memref<1x1x4096xf32, #tpu.memory_space<hbm>> -> memref<4096xf32, #tpu.memory_space<hbm>>
    %dma_wait3A_110 = arith.constant 0 : i32
    %dma_wait3A_111 = tpu.memref_slice %arg7[%dma_wait3A_95, %dma_wait3A_110] : memref<2x4096xf32, #tpu.memory_space<vmem>> -> memref<1x4096xf32, #tpu.memory_space<vmem>>
    %dma_wait3A_112 = tpu.memref_squeeze %dma_wait3A_111 : memref<1x4096xf32, #tpu.memory_space<vmem>> -> memref<4096xf32, #tpu.memory_space<vmem>>
    tpu.wait_dma2 semaphore(%dma_wait3A_106 : memref<!tpu.dma_semaphore, #tpu.memory_space<semaphore_mem>>) src(%dma_wait3A_112 : memref<4096xf32, #tpu.memory_space<vmem>>) dst(%dma_wait3A_109 : memref<4096xf32, #tpu.memory_space<hbm>>)
    %dma_wait3A_113 = arith.constant 1 : i32
    %dma_wait3A_114 = arith.constant 0 : i32
    %dma_wait3A_115 = arith.constant 0 : i32
    %dma_wait3A_116 = arith.constant 1 : i32
    %dma_wait3A_117 = arith.constant 0 : i32
    %dma_wait3A_118 = tpu.memref_slice %arg7[%dma_wait3A_113, %dma_wait3A_117] : memref<2x4096xf32, #tpu.memory_space<vmem>> -> memref<1x4096xf32, #tpu.memory_space<vmem>>
    %dma_wait3A_119 = tpu.memref_squeeze %dma_wait3A_118 : memref<1x4096xf32, #tpu.memory_space<vmem>> -> memref<4096xf32, #tpu.memory_space<vmem>>
    %dma_wait3A_120 = arith.constant 0 : i32
    %dma_wait3A_121 = tpu.memref_slice %arg4[%dma_wait3A_114, %dma_wait3A_115, %dma_wait3A_120] : memref<50x64x4096xf32, #tpu.memory_space<hbm>> -> memref<1x1x4096xf32, #tpu.memory_space<hbm>>
    %dma_wait3A_122 = tpu.memref_squeeze %dma_wait3A_121 : memref<1x1x4096xf32, #tpu.memory_space<hbm>> -> memref<4096xf32, #tpu.memory_space<hbm>>
    %dma_wait3A_123 = tpu.memref_slice %arg10[%dma_wait3A_116] : memref<2x!tpu.dma_semaphore, #tpu.memory_space<semaphore_mem>> -> memref<1x!tpu.dma_semaphore, #tpu.memory_space<semaphore_mem>>
    %dma_wait3A_124 = tpu.memref_squeeze %dma_wait3A_123 : memref<1x!tpu.dma_semaphore, #tpu.memory_space<semaphore_mem>> -> memref<!tpu.dma_semaphore, #tpu.memory_space<semaphore_mem>>
    %dma_wait3A_125 = arith.constant 0 : i32
    %dma_wait3A_126 = tpu.memref_slice %arg4[%dma_wait3A_114, %dma_wait3A_115, %dma_wait3A_125] : memref<50x64x4096xf32, #tpu.memory_space<hbm>> -> memref<1x1x4096xf32, #tpu.memory_space<hbm>>
    %dma_wait3A_127 = tpu.memref_squeeze %dma_wait3A_126 : memref<1x1x4096xf32, #tpu.memory_space<hbm>> -> memref<4096xf32, #tpu.memory_space<hbm>>
    %dma_wait3A_128 = arith.constant 0 : i32
    %dma_wait3A_129 = tpu.memref_slice %arg7[%dma_wait3A_113, %dma_wait3A_128] : memref<2x4096xf32, #tpu.memory_space<vmem>> -> memref<1x4096xf32, #tpu.memory_space<vmem>>
    %dma_wait3A_130 = tpu.memref_squeeze %dma_wait3A_129 : memref<1x4096xf32, #tpu.memory_space<vmem>> -> memref<4096xf32, #tpu.memory_space<vmem>>
    tpu.wait_dma2 semaphore(%dma_wait3A_124 : memref<!tpu.dma_semaphore, #tpu.memory_space<semaphore_mem>>) src(%dma_wait3A_130 : memref<4096xf32, #tpu.memory_space<vmem>>) dst(%dma_wait3A_127 : memref<4096xf32, #tpu.memory_space<hbm>>)
    %add3A_131 = arith.constant 1 : i32
    %add3A_132 = arith.addi %mul3A_2, %add3A_131 : i32
    %dma_wait3A_133 = arith.constant 0 : i32
    %dma_wait3A_134 = tpu.memref_slice %arg2[%add3A_132, %dma_wait3A_133] : memref<64x100000xf32, #tpu.memory_space<hbm>> -> memref<1x100000xf32, #tpu.memory_space<hbm>>
    %dma_wait3A_135 = tpu.memref_squeeze %dma_wait3A_134 : memref<1x100000xf32, #tpu.memory_space<hbm>> -> memref<100000xf32, #tpu.memory_space<hbm>>
    %dma_wait3A_136 = arith.constant 0 : i32
    %dma_wait3A_137 = tpu.memref_slice %arg2[%add3A_132, %dma_wait3A_136] : memref<64x100000xf32, #tpu.memory_space<hbm>> -> memref<1x100000xf32, #tpu.memory_space<hbm>>
    %dma_wait3A_138 = tpu.memref_squeeze %dma_wait3A_137 : memref<1x100000xf32, #tpu.memory_space<hbm>> -> memref<100000xf32, #tpu.memory_space<hbm>>
    tpu.wait_dma2 semaphore(%arg8 : memref<!tpu.dma_semaphore, #tpu.memory_space<semaphore_mem>>) src(%dma_wait3A_138 : memref<100000xf32, #tpu.memory_space<hbm>>) dst(%arg5 : memref<100000xf32, #tpu.memory_space<vmem>>)
    %scan3A_139 = arith.constant 0 : i32
    %scan3A_140 = arith.constant 25 : i32
    %scan3A_141 = arith.addi %scan3A_139, %scan3A_140 : i32
    %scan3A_142 = arith.constant 1 : i32
    scf.for %scan3A_180 = %scan3A_139 to %scan3A_141 step %scan3A_142  : i32 {
      %mul3A_181 = arith.constant 2 : i32
      %mul3A_182 = arith.muli %scan3A_180, %mul3A_181 : i32
      %add3A_183 = arith.constant 0 : i32
      %add3A_184 = arith.addi %add3A_183, %mul3A_182 : i32
      %add3A_185 = arith.constant 0 : i32
      %add3A_186 = arith.addi %add3A_184, %add3A_185 : i32
      %dma_wait3A_187 = arith.constant 0 : i32
      %dma_wait3A_188 = arith.constant 0 : i32
      %dma_wait3A_189 = arith.constant 0 : i32
      %dma_wait3A_190 = arith.constant 0 : i32
      %dma_wait3A_191 = tpu.memref_slice %arg6[%dma_wait3A_188, %dma_wait3A_190] : memref<2x4096xi32, #tpu.memory_space<vmem>> -> memref<1x4096xi32, #tpu.memory_space<vmem>>
      %dma_wait3A_192 = tpu.memref_squeeze %dma_wait3A_191 : memref<1x4096xi32, #tpu.memory_space<vmem>> -> memref<4096xi32, #tpu.memory_space<vmem>>
      %dma_wait3A_193 = arith.constant 0 : i32
      %dma_wait3A_194 = tpu.memref_slice %arg3[%dma_wait3A_187, %dma_wait3A_193] : memref<50x4096xi32, #tpu.memory_space<hbm>> -> memref<1x4096xi32, #tpu.memory_space<hbm>>
      %dma_wait3A_195 = tpu.memref_squeeze %dma_wait3A_194 : memref<1x4096xi32, #tpu.memory_space<hbm>> -> memref<4096xi32, #tpu.memory_space<hbm>>
      %dma_wait3A_196 = tpu.memref_slice %arg9[%dma_wait3A_189] : memref<2x!tpu.dma_semaphore, #tpu.memory_space<semaphore_mem>> -> memref<1x!tpu.dma_semaphore, #tpu.memory_space<semaphore_mem>>
      %dma_wait3A_197 = tpu.memref_squeeze %dma_wait3A_196 : memref<1x!tpu.dma_semaphore, #tpu.memory_space<semaphore_mem>> -> memref<!tpu.dma_semaphore, #tpu.memory_space<semaphore_mem>>
      %dma_wait3A_198 = arith.constant 0 : i32
      %dma_wait3A_199 = tpu.memref_slice %arg6[%dma_wait3A_188, %dma_wait3A_198] : memref<2x4096xi32, #tpu.memory_space<vmem>> -> memref<1x4096xi32, #tpu.memory_space<vmem>>
      %dma_wait3A_200 = tpu.memref_squeeze %dma_wait3A_199 : memref<1x4096xi32, #tpu.memory_space<vmem>> -> memref<4096xi32, #tpu.memory_space<vmem>>
      %dma_wait3A_201 = arith.constant 0 : i32
      %dma_wait3A_202 = tpu.memref_slice %arg3[%dma_wait3A_187, %dma_wait3A_201] : memref<50x4096xi32, #tpu.memory_space<hbm>> -> memref<1x4096xi32, #tpu.memory_space<hbm>>
      %dma_wait3A_203 = tpu.memref_squeeze %dma_wait3A_202 : memref<1x4096xi32, #tpu.memory_space<hbm>> -> memref<4096xi32, #tpu.memory_space<hbm>>
      tpu.wait_dma2 semaphore(%dma_wait3A_197 : memref<!tpu.dma_semaphore, #tpu.memory_space<semaphore_mem>>) src(%dma_wait3A_203 : memref<4096xi32, #tpu.memory_space<hbm>>) dst(%dma_wait3A_200 : memref<4096xi32, #tpu.memory_space<vmem>>)
      %ge3A = arith.constant 2 : i32
      %ge3A_204 = arith.cmpi sge, %add3A_186, %ge3A : i32
      %convert_element_type3A = arith.extui %ge3A_204 : i1 to i32
      %cond3A = arith.constant 0 : i32
      %cond3A_205 = arith.cmpi ne, %convert_element_type3A, %cond3A : i32
      scf.if %cond3A_205 {
        %dma_wait3A_280 = arith.constant 0 : i32
        %dma_wait3A_281 = arith.constant 0 : i32
        %dma_wait3A_282 = arith.constant 0 : i32
        %dma_wait3A_283 = arith.constant 0 : i32
        %dma_wait3A_284 = arith.constant 0 : i32
        %dma_wait3A_285 = tpu.memref_slice %arg7[%dma_wait3A_280, %dma_wait3A_284] : memref<2x4096xf32, #tpu.memory_space<vmem>> -> memref<1x4096xf32, #tpu.memory_space<vmem>>
        %dma_wait3A_286 = tpu.memref_squeeze %dma_wait3A_285 : memref<1x4096xf32, #tpu.memory_space<vmem>> -> memref<4096xf32, #tpu.memory_space<vmem>>
        %dma_wait3A_287 = arith.constant 0 : i32
        %dma_wait3A_288 = tpu.memref_slice %arg4[%dma_wait3A_281, %dma_wait3A_282, %dma_wait3A_287] : memref<50x64x4096xf32, #tpu.memory_space<hbm>> -> memref<1x1x4096xf32, #tpu.memory_space<hbm>>
        %dma_wait3A_289 = tpu.memref_squeeze %dma_wait3A_288 : memref<1x1x4096xf32, #tpu.memory_space<hbm>> -> memref<4096xf32, #tpu.memory_space<hbm>>
        %dma_wait3A_290 = tpu.memref_slice %arg10[%dma_wait3A_283] : memref<2x!tpu.dma_semaphore, #tpu.memory_space<semaphore_mem>> -> memref<1x!tpu.dma_semaphore, #tpu.memory_space<semaphore_mem>>
        %dma_wait3A_291 = tpu.memref_squeeze %dma_wait3A_290 : memref<1x!tpu.dma_semaphore, #tpu.memory_space<semaphore_mem>> -> memref<!tpu.dma_semaphore, #tpu.memory_space<semaphore_mem>>
        %dma_wait3A_292 = arith.constant 0 : i32
        %dma_wait3A_293 = tpu.memref_slice %arg4[%dma_wait3A_281, %dma_wait3A_282, %dma_wait3A_292] : memref<50x64x4096xf32, #tpu.memory_space<hbm>> -> memref<1x1x4096xf32, #tpu.memory_space<hbm>>
        %dma_wait3A_294 = tpu.memref_squeeze %dma_wait3A_293 : memref<1x1x4096xf32, #tpu.memory_space<hbm>> -> memref<4096xf32, #tpu.memory_space<hbm>>
        %dma_wait3A_295 = arith.constant 0 : i32
        %dma_wait3A_296 = tpu.memref_slice %arg7[%dma_wait3A_280, %dma_wait3A_295] : memref<2x4096xf32, #tpu.memory_space<vmem>> -> memref<1x4096xf32, #tpu.memory_space<vmem>>
        %dma_wait3A_297 = tpu.memref_squeeze %dma_wait3A_296 : memref<1x4096xf32, #tpu.memory_space<vmem>> -> memref<4096xf32, #tpu.memory_space<vmem>>
        tpu.wait_dma2 semaphore(%dma_wait3A_291 : memref<!tpu.dma_semaphore, #tpu.memory_space<semaphore_mem>>) src(%dma_wait3A_297 : memref<4096xf32, #tpu.memory_space<vmem>>) dst(%dma_wait3A_294 : memref<4096xf32, #tpu.memory_space<hbm>>)
      } else {
      }
      %parallel_loop3A = arith.constant 0 : i32
      %parallel_loop3A_206 = arith.constant 256 : i32
      %parallel_loop3A_207 = arith.constant 1 : i32
      scf.for %parallel_loop3A_280 = %parallel_loop3A to %parallel_loop3A_206 step %parallel_loop3A_207  : i32 {
        %parallel_loop3A_281 = arith.constant 16 : i32
        %parallel_loop3A_282 = arith.muli %parallel_loop3A_280, %parallel_loop3A_281 : i32
        %parallel_loop3A_283 = arith.constant 0 : i32
        %parallel_loop3A_284 = arith.index_cast %parallel_loop3A_283 : i32 to index
        %parallel_loop3A_285 = arith.index_cast %parallel_loop3A_282 : i32 to index
        %parallel_loop3A_286 = tpu.vector_load %arg6[%parallel_loop3A_284, %parallel_loop3A_285] {strides = array<i32>} : memref<2x4096xi32, #tpu.memory_space<vmem>>, vector<16xi32>,
        %parallel_loop3A_287 = tpu.vector_load_idx %arg5[%parallel_loop3A_286] : memref<100000xf32, #tpu.memory_space<vmem>>[vector<16xi32>], vector<16xf32>,
        %parallel_loop3A_288 = arith.constant 16 : i32
        %parallel_loop3A_289 = arith.muli %parallel_loop3A_280, %parallel_loop3A_288 : i32
        %parallel_loop3A_290 = arith.constant 0 : i32
        %parallel_loop3A_291 = arith.index_cast %parallel_loop3A_290 : i32 to index
        %parallel_loop3A_292 = arith.index_cast %parallel_loop3A_289 : i32 to index
        %parallel_loop3A_293 = tpu.vector_load %arg7[%parallel_loop3A_291, %parallel_loop3A_292] {strides = array<i32>} : memref<2x4096xf32, #tpu.memory_space<vmem>>, vector<16xf32>,
        tpu.vector_store %arg7[%parallel_loop3A_291, %parallel_loop3A_292], %parallel_loop3A_287 {strides = array<i32>} : memref<2x4096xf32, #tpu.memory_space<vmem>>, vector<16xf32>,
      } {sc.loop_unroll_factor = 32 : i64, sc.parallel_access}
      %add3A_208 = arith.constant 2 : i32
      %add3A_209 = arith.addi %add3A_186, %add3A_208 : i32
      %lt3A = arith.constant 50 : i32
      %lt3A_210 = arith.cmpi slt, %add3A_209, %lt3A : i32
      %convert_element_type3A_211 = arith.extui %lt3A_210 : i1 to i32
      %cond3A_212 = arith.constant 0 : i32
      %cond3A_213 = arith.cmpi ne, %convert_element_type3A_211, %cond3A_212 : i32
      scf.if %cond3A_213 {
        %add3A_280 = arith.constant 2 : i32
        %add3A_281 = arith.addi %add3A_186, %add3A_280 : i32
        %dma_start3A_282 = arith.constant 0 : i32
        %dma_start3A_283 = arith.constant 0 : i32
        %dma_start3A_284 = arith.constant 0 : i32
        %dma_start3A_285 = tpu.memref_slice %arg6[%dma_start3A_282, %dma_start3A_284] : memref<2x4096xi32, #tpu.memory_space<vmem>> -> memref<1x4096xi32, #tpu.memory_space<vmem>>
        %dma_start3A_286 = tpu.memref_squeeze %dma_start3A_285 : memref<1x4096xi32, #tpu.memory_space<vmem>> -> memref<4096xi32, #tpu.memory_space<vmem>>
        %dma_start3A_287 = arith.constant 0 : i32
        %dma_start3A_288 = tpu.memref_slice %arg3[%add3A_281, %dma_start3A_287] : memref<50x4096xi32, #tpu.memory_space<hbm>> -> memref<1x4096xi32, #tpu.memory_space<hbm>>
        %dma_start3A_289 = tpu.memref_squeeze %dma_start3A_288 : memref<1x4096xi32, #tpu.memory_space<hbm>> -> memref<4096xi32, #tpu.memory_space<hbm>>
        %dma_start3A_290 = tpu.memref_slice %arg9[%dma_start3A_283] : memref<2x!tpu.dma_semaphore, #tpu.memory_space<semaphore_mem>> -> memref<1x!tpu.dma_semaphore, #tpu.memory_space<semaphore_mem>>
        %dma_start3A_291 = tpu.memref_squeeze %dma_start3A_290 : memref<1x!tpu.dma_semaphore, #tpu.memory_space<semaphore_mem>> -> memref<!tpu.dma_semaphore, #tpu.memory_space<semaphore_mem>>
        %dma_start3A_292 = arith.constant 0 : i32
        %dma_start3A_293 = tpu.memref_slice %arg6[%dma_start3A_282, %dma_start3A_292] : memref<2x4096xi32, #tpu.memory_space<vmem>> -> memref<1x4096xi32, #tpu.memory_space<vmem>>
        %dma_start3A_294 = tpu.memref_squeeze %dma_start3A_293 : memref<1x4096xi32, #tpu.memory_space<vmem>> -> memref<4096xi32, #tpu.memory_space<vmem>>
        %dma_start3A_295 = arith.constant 0 : i32
        %dma_start3A_296 = tpu.memref_slice %arg3[%add3A_281, %dma_start3A_295] : memref<50x4096xi32, #tpu.memory_space<hbm>> -> memref<1x4096xi32, #tpu.memory_space<hbm>>
        %dma_start3A_297 = tpu.memref_squeeze %dma_start3A_296 : memref<1x4096xi32, #tpu.memory_space<hbm>> -> memref<4096xi32, #tpu.memory_space<hbm>>
        tpu.enqueue_dma source(%dma_start3A_297 : memref<4096xi32, #tpu.memory_space<hbm>>) target(%dma_start3A_294 : memref<4096xi32, #tpu.memory_space<vmem>>) target_semaphore(%dma_start3A_291 : memref<!tpu.dma_semaphore, #tpu.memory_space<semaphore_mem>>)
      } else {
      }
      %dma_start3A_214 = arith.constant 0 : i32
      %dma_start3A_215 = arith.constant 0 : i32
      %dma_start3A_216 = arith.constant 0 : i32
      %dma_start3A_217 = tpu.memref_slice %arg7[%dma_start3A_214, %dma_start3A_216] : memref<2x4096xf32, #tpu.memory_space<vmem>> -> memref<1x4096xf32, #tpu.memory_space<vmem>>
      %dma_start3A_218 = tpu.memref_squeeze %dma_start3A_217 : memref<1x4096xf32, #tpu.memory_space<vmem>> -> memref<4096xf32, #tpu.memory_space<vmem>>
      %dma_start3A_219 = arith.constant 0 : i32
      %dma_start3A_220 = tpu.memref_slice %arg4[%add3A_186, %add3A_132, %dma_start3A_219] : memref<50x64x4096xf32, #tpu.memory_space<hbm>> -> memref<1x1x4096xf32, #tpu.memory_space<hbm>>
      %dma_start3A_221 = tpu.memref_squeeze %dma_start3A_220 : memref<1x1x4096xf32, #tpu.memory_space<hbm>> -> memref<4096xf32, #tpu.memory_space<hbm>>
      %dma_start3A_222 = tpu.memref_slice %arg10[%dma_start3A_215] : memref<2x!tpu.dma_semaphore, #tpu.memory_space<semaphore_mem>> -> memref<1x!tpu.dma_semaphore, #tpu.memory_space<semaphore_mem>>
      %dma_start3A_223 = tpu.memref_squeeze %dma_start3A_222 : memref<1x!tpu.dma_semaphore, #tpu.memory_space<semaphore_mem>> -> memref<!tpu.dma_semaphore, #tpu.memory_space<semaphore_mem>>
      %dma_start3A_224 = arith.constant 0 : i32
      %dma_start3A_225 = tpu.memref_slice %arg4[%add3A_186, %add3A_132, %dma_start3A_224] : memref<50x64x4096xf32, #tpu.memory_space<hbm>> -> memref<1x1x4096xf32, #tpu.memory_space<hbm>>
      %dma_start3A_226 = tpu.memref_squeeze %dma_start3A_225 : memref<1x1x4096xf32, #tpu.memory_space<hbm>> -> memref<4096xf32, #tpu.memory_space<hbm>>
      %dma_start3A_227 = arith.constant 0 : i32
      %dma_start3A_228 = tpu.memref_slice %arg7[%dma_start3A_214, %dma_start3A_227] : memref<2x4096xf32, #tpu.memory_space<vmem>> -> memref<1x4096xf32, #tpu.memory_space<vmem>>
      %dma_start3A_229 = tpu.memref_squeeze %dma_start3A_228 : memref<1x4096xf32, #tpu.memory_space<vmem>> -> memref<4096xf32, #tpu.memory_space<vmem>>
      tpu.enqueue_dma source(%dma_start3A_229 : memref<4096xf32, #tpu.memory_space<vmem>>) target(%dma_start3A_226 : memref<4096xf32, #tpu.memory_space<hbm>>) target_semaphore(%dma_start3A_223 : memref<!tpu.dma_semaphore, #tpu.memory_space<semaphore_mem>>)
      %add3A_230 = arith.constant 1 : i32
      %add3A_231 = arith.addi %add3A_184, %add3A_230 : i32
      %dma_wait3A_232 = arith.constant 0 : i32
      %dma_wait3A_233 = arith.constant 1 : i32
      %dma_wait3A_234 = arith.constant 1 : i32
      %dma_wait3A_235 = arith.constant 0 : i32
      %dma_wait3A_236 = tpu.memref_slice %arg6[%dma_wait3A_233, %dma_wait3A_235] : memref<2x4096xi32, #tpu.memory_space<vmem>> -> memref<1x4096xi32, #tpu.memory_space<vmem>>
      %dma_wait3A_237 = tpu.memref_squeeze %dma_wait3A_236 : memref<1x4096xi32, #tpu.memory_space<vmem>> -> memref<4096xi32, #tpu.memory_space<vmem>>
      %dma_wait3A_238 = arith.constant 0 : i32
      %dma_wait3A_239 = tpu.memref_slice %arg3[%dma_wait3A_232, %dma_wait3A_238] : memref<50x4096xi32, #tpu.memory_space<hbm>> -> memref<1x4096xi32, #tpu.memory_space<hbm>>
      %dma_wait3A_240 = tpu.memref_squeeze %dma_wait3A_239 : memref<1x4096xi32, #tpu.memory_space<hbm>> -> memref<4096xi32, #tpu.memory_space<hbm>>
      %dma_wait3A_241 = tpu.memref_slice %arg9[%dma_wait3A_234] : memref<2x!tpu.dma_semaphore, #tpu.memory_space<semaphore_mem>> -> memref<1x!tpu.dma_semaphore, #tpu.memory_space<semaphore_mem>>
      %dma_wait3A_242 = tpu.memref_squeeze %dma_wait3A_241 : memref<1x!tpu.dma_semaphore, #tpu.memory_space<semaphore_mem>> -> memref<!tpu.dma_semaphore, #tpu.memory_space<semaphore_mem>>
      %dma_wait3A_243 = arith.constant 0 : i32
      %dma_wait3A_244 = tpu.memref_slice %arg6[%dma_wait3A_233, %dma_wait3A_243] : memref<2x4096xi32, #tpu.memory_space<vmem>> -> memref<1x4096xi32, #tpu.memory_space<vmem>>
      %dma_wait3A_245 = tpu.memref_squeeze %dma_wait3A_244 : memref<1x4096xi32, #tpu.memory_space<vmem>> -> memref<4096xi32, #tpu.memory_space<vmem>>
      %dma_wait3A_246 = arith.constant 0 : i32
      %dma_wait3A_247 = tpu.memref_slice %arg3[%dma_wait3A_232, %dma_wait3A_246] : memref<50x4096xi32, #tpu.memory_space<hbm>> -> memref<1x4096xi32, #tpu.memory_space<hbm>>
      %dma_wait3A_248 = tpu.memref_squeeze %dma_wait3A_247 : memref<1x4096xi32, #tpu.memory_space<hbm>> -> memref<4096xi32, #tpu.memory_space<hbm>>
      tpu.wait_dma2 semaphore(%dma_wait3A_242 : memref<!tpu.dma_semaphore, #tpu.memory_space<semaphore_mem>>) src(%dma_wait3A_248 : memref<4096xi32, #tpu.memory_space<hbm>>) dst(%dma_wait3A_245 : memref<4096xi32, #tpu.memory_space<vmem>>)
      %ge3A_249 = arith.constant 2 : i32
      %ge3A_250 = arith.cmpi sge, %add3A_231, %ge3A_249 : i32
      %convert_element_type3A_251 = arith.extui %ge3A_250 : i1 to i32
      %cond3A_252 = arith.constant 0 : i32
      %cond3A_253 = arith.cmpi ne, %convert_element_type3A_251, %cond3A_252 : i32
      scf.if %cond3A_253 {
        %dma_wait3A_280 = arith.constant 1 : i32
        %dma_wait3A_281 = arith.constant 0 : i32
        %dma_wait3A_282 = arith.constant 0 : i32
        %dma_wait3A_283 = arith.constant 1 : i32
        %dma_wait3A_284 = arith.constant 0 : i32
        %dma_wait3A_285 = tpu.memref_slice %arg7[%dma_wait3A_280, %dma_wait3A_284] : memref<2x4096xf32, #tpu.memory_space<vmem>> -> memref<1x4096xf32, #tpu.memory_space<vmem>>
        %dma_wait3A_286 = tpu.memref_squeeze %dma_wait3A_285 : memref<1x4096xf32, #tpu.memory_space<vmem>> -> memref<4096xf32, #tpu.memory_space<vmem>>
        %dma_wait3A_287 = arith.constant 0 : i32
        %dma_wait3A_288 = tpu.memref_slice %arg4[%dma_wait3A_281, %dma_wait3A_282, %dma_wait3A_287] : memref<50x64x4096xf32, #tpu.memory_space<hbm>> -> memref<1x1x4096xf32, #tpu.memory_space<hbm>>
        %dma_wait3A_289 = tpu.memref_squeeze %dma_wait3A_288 : memref<1x1x4096xf32, #tpu.memory_space<hbm>> -> memref<4096xf32, #tpu.memory_space<hbm>>
        %dma_wait3A_290 = tpu.memref_slice %arg10[%dma_wait3A_283] : memref<2x!tpu.dma_semaphore, #tpu.memory_space<semaphore_mem>> -> memref<1x!tpu.dma_semaphore, #tpu.memory_space<semaphore_mem>>
        %dma_wait3A_291 = tpu.memref_squeeze %dma_wait3A_290 : memref<1x!tpu.dma_semaphore, #tpu.memory_space<semaphore_mem>> -> memref<!tpu.dma_semaphore, #tpu.memory_space<semaphore_mem>>
        %dma_wait3A_292 = arith.constant 0 : i32
        %dma_wait3A_293 = tpu.memref_slice %arg4[%dma_wait3A_281, %dma_wait3A_282, %dma_wait3A_292] : memref<50x64x4096xf32, #tpu.memory_space<hbm>> -> memref<1x1x4096xf32, #tpu.memory_space<hbm>>
        %dma_wait3A_294 = tpu.memref_squeeze %dma_wait3A_293 : memref<1x1x4096xf32, #tpu.memory_space<hbm>> -> memref<4096xf32, #tpu.memory_space<hbm>>
        %dma_wait3A_295 = arith.constant 0 : i32
        %dma_wait3A_296 = tpu.memref_slice %arg7[%dma_wait3A_280, %dma_wait3A_295] : memref<2x4096xf32, #tpu.memory_space<vmem>> -> memref<1x4096xf32, #tpu.memory_space<vmem>>
        %dma_wait3A_297 = tpu.memref_squeeze %dma_wait3A_296 : memref<1x4096xf32, #tpu.memory_space<vmem>> -> memref<4096xf32, #tpu.memory_space<vmem>>
        tpu.wait_dma2 semaphore(%dma_wait3A_291 : memref<!tpu.dma_semaphore, #tpu.memory_space<semaphore_mem>>) src(%dma_wait3A_297 : memref<4096xf32, #tpu.memory_space<vmem>>) dst(%dma_wait3A_294 : memref<4096xf32, #tpu.memory_space<hbm>>)
      } else {
      }
      %parallel_loop3A_254 = arith.constant 0 : i32
      %parallel_loop3A_255 = arith.constant 256 : i32
      %parallel_loop3A_256 = arith.constant 1 : i32
      scf.for %parallel_loop3A_280 = %parallel_loop3A_254 to %parallel_loop3A_255 step %parallel_loop3A_256  : i32 {
        %parallel_loop3A_281 = arith.constant 16 : i32
        %parallel_loop3A_282 = arith.muli %parallel_loop3A_280, %parallel_loop3A_281 : i32
        %parallel_loop3A_283 = arith.constant 1 : i32
        %parallel_loop3A_284 = arith.index_cast %parallel_loop3A_283 : i32 to index
        %parallel_loop3A_285 = arith.index_cast %parallel_loop3A_282 : i32 to index
        %parallel_loop3A_286 = tpu.vector_load %arg6[%parallel_loop3A_284, %parallel_loop3A_285] {strides = array<i32>} : memref<2x4096xi32, #tpu.memory_space<vmem>>, vector<16xi32>,
        %parallel_loop3A_287 = tpu.vector_load_idx %arg5[%parallel_loop3A_286] : memref<100000xf32, #tpu.memory_space<vmem>>[vector<16xi32>], vector<16xf32>,
        %parallel_loop3A_288 = arith.constant 16 : i32
        %parallel_loop3A_289 = arith.muli %parallel_loop3A_280, %parallel_loop3A_288 : i32
        %parallel_loop3A_290 = arith.constant 1 : i32
        %parallel_loop3A_291 = arith.index_cast %parallel_loop3A_290 : i32 to index
        %parallel_loop3A_292 = arith.index_cast %parallel_loop3A_289 : i32 to index
        %parallel_loop3A_293 = tpu.vector_load %arg7[%parallel_loop3A_291, %parallel_loop3A_292] {strides = array<i32>} : memref<2x4096xf32, #tpu.memory_space<vmem>>, vector<16xf32>,
        tpu.vector_store %arg7[%parallel_loop3A_291, %parallel_loop3A_292], %parallel_loop3A_287 {strides = array<i32>} : memref<2x4096xf32, #tpu.memory_space<vmem>>, vector<16xf32>,
      } {sc.loop_unroll_factor = 32 : i64, sc.parallel_access}
      %add3A_257 = arith.constant 2 : i32
      %add3A_258 = arith.addi %add3A_231, %add3A_257 : i32
      %lt3A_259 = arith.constant 50 : i32
      %lt3A_260 = arith.cmpi slt, %add3A_258, %lt3A_259 : i32
      %convert_element_type3A_261 = arith.extui %lt3A_260 : i1 to i32
      %cond3A_262 = arith.constant 0 : i32
      %cond3A_263 = arith.cmpi ne, %convert_element_type3A_261, %cond3A_262 : i32
      scf.if %cond3A_263 {
        %add3A_280 = arith.constant 2 : i32
        %add3A_281 = arith.addi %add3A_231, %add3A_280 : i32
        %dma_start3A_282 = arith.constant 1 : i32
        %dma_start3A_283 = arith.constant 1 : i32
        %dma_start3A_284 = arith.constant 0 : i32
        %dma_start3A_285 = tpu.memref_slice %arg6[%dma_start3A_282, %dma_start3A_284] : memref<2x4096xi32, #tpu.memory_space<vmem>> -> memref<1x4096xi32, #tpu.memory_space<vmem>>
        %dma_start3A_286 = tpu.memref_squeeze %dma_start3A_285 : memref<1x4096xi32, #tpu.memory_space<vmem>> -> memref<4096xi32, #tpu.memory_space<vmem>>
        %dma_start3A_287 = arith.constant 0 : i32
        %dma_start3A_288 = tpu.memref_slice %arg3[%add3A_281, %dma_start3A_287] : memref<50x4096xi32, #tpu.memory_space<hbm>> -> memref<1x4096xi32, #tpu.memory_space<hbm>>
        %dma_start3A_289 = tpu.memref_squeeze %dma_start3A_288 : memref<1x4096xi32, #tpu.memory_space<hbm>> -> memref<4096xi32, #tpu.memory_space<hbm>>
        %dma_start3A_290 = tpu.memref_slice %arg9[%dma_start3A_283] : memref<2x!tpu.dma_semaphore, #tpu.memory_space<semaphore_mem>> -> memref<1x!tpu.dma_semaphore, #tpu.memory_space<semaphore_mem>>
        %dma_start3A_291 = tpu.memref_squeeze %dma_start3A_290 : memref<1x!tpu.dma_semaphore, #tpu.memory_space<semaphore_mem>> -> memref<!tpu.dma_semaphore, #tpu.memory_space<semaphore_mem>>
        %dma_start3A_292 = arith.constant 0 : i32
        %dma_start3A_293 = tpu.memref_slice %arg6[%dma_start3A_282, %dma_start3A_292] : memref<2x4096xi32, #tpu.memory_space<vmem>> -> memref<1x4096xi32, #tpu.memory_space<vmem>>
        %dma_start3A_294 = tpu.memref_squeeze %dma_start3A_293 : memref<1x4096xi32, #tpu.memory_space<vmem>> -> memref<4096xi32, #tpu.memory_space<vmem>>
        %dma_start3A_295 = arith.constant 0 : i32
        %dma_start3A_296 = tpu.memref_slice %arg3[%add3A_281, %dma_start3A_295] : memref<50x4096xi32, #tpu.memory_space<hbm>> -> memref<1x4096xi32, #tpu.memory_space<hbm>>
        %dma_start3A_297 = tpu.memref_squeeze %dma_start3A_296 : memref<1x4096xi32, #tpu.memory_space<hbm>> -> memref<4096xi32, #tpu.memory_space<hbm>>
        tpu.enqueue_dma source(%dma_start3A_297 : memref<4096xi32, #tpu.memory_space<hbm>>) target(%dma_start3A_294 : memref<4096xi32, #tpu.memory_space<vmem>>) target_semaphore(%dma_start3A_291 : memref<!tpu.dma_semaphore, #tpu.memory_space<semaphore_mem>>)
      } else {
      }
      %dma_start3A_264 = arith.constant 1 : i32
      %dma_start3A_265 = arith.constant 1 : i32
      %dma_start3A_266 = arith.constant 0 : i32
      %dma_start3A_267 = tpu.memref_slice %arg7[%dma_start3A_264, %dma_start3A_266] : memref<2x4096xf32, #tpu.memory_space<vmem>> -> memref<1x4096xf32, #tpu.memory_space<vmem>>
      %dma_start3A_268 = tpu.memref_squeeze %dma_start3A_267 : memref<1x4096xf32, #tpu.memory_space<vmem>> -> memref<4096xf32, #tpu.memory_space<vmem>>
      %dma_start3A_269 = arith.constant 0 : i32
      %dma_start3A_270 = tpu.memref_slice %arg4[%add3A_231, %add3A_132, %dma_start3A_269] : memref<50x64x4096xf32, #tpu.memory_space<hbm>> -> memref<1x1x4096xf32, #tpu.memory_space<hbm>>
      %dma_start3A_271 = tpu.memref_squeeze %dma_start3A_270 : memref<1x1x4096xf32, #tpu.memory_space<hbm>> -> memref<4096xf32, #tpu.memory_space<hbm>>
      %dma_start3A_272 = tpu.memref_slice %arg10[%dma_start3A_265] : memref<2x!tpu.dma_semaphore, #tpu.memory_space<semaphore_mem>> -> memref<1x!tpu.dma_semaphore, #tpu.memory_space<semaphore_mem>>
      %dma_start3A_273 = tpu.memref_squeeze %dma_start3A_272 : memref<1x!tpu.dma_semaphore, #tpu.memory_space<semaphore_mem>> -> memref<!tpu.dma_semaphore, #tpu.memory_space<semaphore_mem>>
      %dma_start3A_274 = arith.constant 0 : i32
      %dma_start3A_275 = tpu.memref_slice %arg4[%add3A_231, %add3A_132, %dma_start3A_274] : memref<50x64x4096xf32, #tpu.memory_space<hbm>> -> memref<1x1x4096xf32, #tpu.memory_space<hbm>>
      %dma_start3A_276 = tpu.memref_squeeze %dma_start3A_275 : memref<1x1x4096xf32, #tpu.memory_space<hbm>> -> memref<4096xf32, #tpu.memory_space<hbm>>
      %dma_start3A_277 = arith.constant 0 : i32
      %dma_start3A_278 = tpu.memref_slice %arg7[%dma_start3A_264, %dma_start3A_277] : memref<2x4096xf32, #tpu.memory_space<vmem>> -> memref<1x4096xf32, #tpu.memory_space<vmem>>
      %dma_start3A_279 = tpu.memref_squeeze %dma_start3A_278 : memref<1x4096xf32, #tpu.memory_space<vmem>> -> memref<4096xf32, #tpu.memory_space<vmem>>
      tpu.enqueue_dma source(%dma_start3A_279 : memref<4096xf32, #tpu.memory_space<vmem>>) target(%dma_start3A_276 : memref<4096xf32, #tpu.memory_space<hbm>>) target_semaphore(%dma_start3A_273 : memref<!tpu.dma_semaphore, #tpu.memory_space<semaphore_mem>>)
    }
    %scan3A_143 = arith.constant 25 : i32
    %dma_wait3A_144 = arith.constant 0 : i32
    %dma_wait3A_145 = arith.constant 0 : i32
    %dma_wait3A_146 = arith.constant 0 : i32
    %dma_wait3A_147 = arith.constant 0 : i32
    %dma_wait3A_148 = arith.constant 0 : i32
    %dma_wait3A_149 = tpu.memref_slice %arg7[%dma_wait3A_144, %dma_wait3A_148] : memref<2x4096xf32, #tpu.memory_space<vmem>> -> memref<1x4096xf32, #tpu.memory_space<vmem>>
    %dma_wait3A_150 = tpu.memref_squeeze %dma_wait3A_149 : memref<1x4096xf32, #tpu.memory_space<vmem>> -> memref<4096xf32, #tpu.memory_space<vmem>>
    %dma_wait3A_151 = arith.constant 0 : i32
    %dma_wait3A_152 = tpu.memref_slice %arg4[%dma_wait3A_145, %dma_wait3A_146, %dma_wait3A_151] : memref<50x64x4096xf32, #tpu.memory_space<hbm>> -> memref<1x1x4096xf32, #tpu.memory_space<hbm>>
    %dma_wait3A_153 = tpu.memref_squeeze %dma_wait3A_152 : memref<1x1x4096xf32, #tpu.memory_space<hbm>> -> memref<4096xf32, #tpu.memory_space<hbm>>
    %dma_wait3A_154 = tpu.memref_slice %arg10[%dma_wait3A_147] : memref<2x!tpu.dma_semaphore, #tpu.memory_space<semaphore_mem>> -> memref<1x!tpu.dma_semaphore, #tpu.memory_space<semaphore_mem>>
    %dma_wait3A_155 = tpu.memref_squeeze %dma_wait3A_154 : memref<1x!tpu.dma_semaphore, #tpu.memory_space<semaphore_mem>> -> memref<!tpu.dma_semaphore, #tpu.memory_space<semaphore_mem>>
    %dma_wait3A_156 = arith.constant 0 : i32
    %dma_wait3A_157 = tpu.memref_slice %arg4[%dma_wait3A_145, %dma_wait3A_146, %dma_wait3A_156] : memref<50x64x4096xf32, #tpu.memory_space<hbm>> -> memref<1x1x4096xf32, #tpu.memory_space<hbm>>
    %dma_wait3A_158 = tpu.memref_squeeze %dma_wait3A_157 : memref<1x1x4096xf32, #tpu.memory_space<hbm>> -> memref<4096xf32, #tpu.memory_space<hbm>>
    %dma_wait3A_159 = arith.constant 0 : i32
    %dma_wait3A_160 = tpu.memref_slice %arg7[%dma_wait3A_144, %dma_wait3A_159] : memref<2x4096xf32, #tpu.memory_space<vmem>> -> memref<1x4096xf32, #tpu.memory_space<vmem>>
    %dma_wait3A_161 = tpu.memref_squeeze %dma_wait3A_160 : memref<1x4096xf32, #tpu.memory_space<vmem>> -> memref<4096xf32, #tpu.memory_space<vmem>>
    tpu.wait_dma2 semaphore(%dma_wait3A_155 : memref<!tpu.dma_semaphore, #tpu.memory_space<semaphore_mem>>) src(%dma_wait3A_161 : memref<4096xf32, #tpu.memory_space<vmem>>) dst(%dma_wait3A_158 : memref<4096xf32, #tpu.memory_space<hbm>>)
    %dma_wait3A_162 = arith.constant 1 : i32
    %dma_wait3A_163 = arith.constant 0 : i32
    %dma_wait3A_164 = arith.constant 0 : i32
    %dma_wait3A_165 = arith.constant 1 : i32
    %dma_wait3A_166 = arith.constant 0 : i32
    %dma_wait3A_167 = tpu.memref_slice %arg7[%dma_wait3A_162, %dma_wait3A_166] : memref<2x4096xf32, #tpu.memory_space<vmem>> -> memref<1x4096xf32, #tpu.memory_space<vmem>>
    %dma_wait3A_168 = tpu.memref_squeeze %dma_wait3A_167 : memref<1x4096xf32, #tpu.memory_space<vmem>> -> memref<4096xf32, #tpu.memory_space<vmem>>
    %dma_wait3A_169 = arith.constant 0 : i32
    %dma_wait3A_170 = tpu.memref_slice %arg4[%dma_wait3A_163, %dma_wait3A_164, %dma_wait3A_169] : memref<50x64x4096xf32, #tpu.memory_space<hbm>> -> memref<1x1x4096xf32, #tpu.memory_space<hbm>>
    %dma_wait3A_171 = tpu.memref_squeeze %dma_wait3A_170 : memref<1x1x4096xf32, #tpu.memory_space<hbm>> -> memref<4096xf32, #tpu.memory_space<hbm>>
    %dma_wait3A_172 = tpu.memref_slice %arg10[%dma_wait3A_165] : memref<2x!tpu.dma_semaphore, #tpu.memory_space<semaphore_mem>> -> memref<1x!tpu.dma_semaphore, #tpu.memory_space<semaphore_mem>>
    %dma_wait3A_173 = tpu.memref_squeeze %dma_wait3A_172 : memref<1x!tpu.dma_semaphore, #tpu.memory_space<semaphore_mem>> -> memref<!tpu.dma_semaphore, #tpu.memory_space<semaphore_mem>>
    %dma_wait3A_174 = arith.constant 0 : i32
    %dma_wait3A_175 = tpu.memref_slice %arg4[%dma_wait3A_163, %dma_wait3A_164, %dma_wait3A_174] : memref<50x64x4096xf32, #tpu.memory_space<hbm>> -> memref<1x1x4096xf32, #tpu.memory_space<hbm>>
    %dma_wait3A_176 = tpu.memref_squeeze %dma_wait3A_175 : memref<1x1x4096xf32, #tpu.memory_space<hbm>> -> memref<4096xf32, #tpu.memory_space<hbm>>
    %dma_wait3A_177 = arith.constant 0 : i32
    %dma_wait3A_178 = tpu.memref_slice %arg7[%dma_wait3A_162, %dma_wait3A_177] : memref<2x4096xf32, #tpu.memory_space<vmem>> -> memref<1x4096xf32, #tpu.memory_space<vmem>>
    %dma_wait3A_179 = tpu.memref_squeeze %dma_wait3A_178 : memref<1x4096xf32, #tpu.memory_space<vmem>> -> memref<4096xf32, #tpu.memory_space<vmem>>
    tpu.wait_dma2 semaphore(%dma_wait3A_173 : memref<!tpu.dma_semaphore, #tpu.memory_space<semaphore_mem>>) src(%dma_wait3A_179 : memref<4096xf32, #tpu.memory_space<vmem>>) dst(%dma_wait3A_176 : memref<4096xf32, #tpu.memory_space<hbm>>)
    return
  }
}

</mosaic_0001>

<sc_bundles>
// kernel: kernel.3.cloned.1.call-start
scs
__scs_entry_jumppad:
0x0: {  	(pc) =	sbr.rel $0x88, $3  }
0x1: {  	(tag) =	ssettag $0x0;
	lr =	simm.s32 $0x1  }
0x2: {  	[smem:$0x3F9F] =	sst lr;
	_ =	strace $0xD0000000  }
0x3: {  	_ = 	snop  }
0x4: {  	_ = 	snop  }
0x5: {  	_ = 	snop  }
0x6: {  	_ = 	snop  }
0x7: {  	_ = 	snop  }
__scs_overlays_trampoline_lowered:
0x8: {  	[smem:$0x3FAE] =	sst s0  }
0x9: {  	[smem:$0x3FAF] =	sst s1  }
0xa: {  	[smem:$0x3FB0] =	sst s2  }
0xb: {  	[smem:$0x3FB1] =	sst s3  }
0xc: {  	[smem:$0x3FB2] =	sst s4  }
0xd: {  	[smem:$0x3FB3] =	sst s5  }
0xe: {  	[smem:$0x3FB4] =	sst s6  }
0xf: {  	[smem:$0x3FB5] =	sst s7  }
0x10: {  	[smem:$0x3FB6] =	sst s8  }
0x11: {  	[smem:$0x3FB7] =	sst s9;
	s0 =	simm.s32 @!p0 $0x0  }
0x12: {  	s1 =	sld [smem:$0x3F9D];
	s0 =	simm.s32 @p0 $0x1  }
0x13: {  	[smem:$0x3FB8] =	sst s0;
	s0 =	simm.s32 @!p1 $0x0  }
0x14: {  	s2 =	sld [smem:$0x3F9C];
	s0 =	simm.s32 @p1 $0x1  }
0x15: {  	[smem:$0x3FB9] =	sst s0;
	s0 =	simm.s32 @!p2 $0x0  }
0x16: {  	s3 =	sld [smem:$0x3FDB];
	s0 =	simm.s32 @p2 $0x1  }
0x17: {  	s4 =	simm.s32 $0x1BF5;
	[smem:$0x3FBB] =	sst s0  }
0x18: {  	s0 =	sld [smem:$0x3F9E];
	_ =	swait.ge [sflag:s4], $0x0  }
0x19: {  	s7 =	sld [smem:$0x3F9F]  }
0x1a: {  	s8 =	sadd.s32 $0xFFFFE003, lr  }
0x1b: {  	s9 =	sadd.s32 $0xFFFFFEF7, lr;
	s5 =	simm.s32 $0xFFFFFFFF;
	p2 =	slt.u32 s8, $0xFFFFF086  }
0x1c: {  	p1 =	slt.u32 s9, $0xF7A;
	s5 =	simm.s32 @!p2 $0x0  }
0x1d: {  	s5 =	simm.s32 @p1 $0x1;
	p0 =	seq.s32 s7, s2  }
0x1e: {  	s7 =	smul.u32 @!p0 $0xF7A, s2;
	p2 =	seq.s32 @!p0 s5, $0x0  }
0x1f: {  	s9 =	smul.u32 $0xF7A, s1;
	s8 =	simm.s32 @!p0 $0x1BF5;
	p2 =	por !p2, p0  }
0x20: {  	[sflag:s8] =	ssyncset.s32 @!p0 $0xFFFFF086;
	s6 =	sadd.s32 @!p0 s3, s7;
	s7 =	simm.s32 @!p0 $0x108  }
0x21: {  	s3 =	sadd.s32 s3, s9;
	s6 =	sadd.s32 @!p0 $0x88, s6;
	s7 =	simm.s32 @p2 $0x1082  }
0x22: {  	[simem:s7], [sflag:s8] =	dma.local @!p0 [hbm:s6], $0xF7A  }
0x23: {  	s9 =	sor.u32 $0xD0000000, s2;
	s6 =	simm.s32 $0x108;
	_ =	swait.ge @!p0 [sflag:s8], $0x0  }
0x24: {  	s3 =	sadd.s32 $0x88, s3;
	s6 =	simm.s32 @!p1 $0x1082;
	[sflag:s4] =	ssyncset.s32 $0xFFFFF086  }
0x25: {  	[simem:s6], [sflag:s4] =	dma.local [hbm:s3], $0xF7A  }
0x26: {  	[smem:$0x3F9F] =	sst s1;
	(tag) =	ssettag s2;
	_ =	strace s9  }
0x27: {  	s1 =	sld [smem:$0x3FAF]  }
0x28: {  	s2 =	sld [smem:$0x3FB0]  }
0x29: {  	s4 =	sld [smem:$0x3FB2]  }
0x2a: {  	p0 =	seq.s32 s5, $0x0;
	s5 =	sld [smem:$0x3FB3]  }
0x2b: {  	s6 =	sld [smem:$0x3FB4]  }
0x2c: {  	s7 =	sld [smem:$0x3FB5]  }
0x2d: {  	s3 =	simm.s32 $0x108;
	s8 =	sld [smem:$0x3FB6]  }
0x2e: {  	s3 =	simm.s32 @!p0 $0x1082;
	s9 =	sld [smem:$0x3FB7]  }
0x2f: {  	lr =	sadd.s32 s0, s3;
	s0 =	sld [smem:$0x3FAE]  }
0x30: {  	s3 =	sld [smem:$0x3FB1]  }
0x31: {  	[smem:$0x3FBA] =	sst s10  }
0x32: {  	s10 =	sld [smem:$0x3FB8];
	_ =	sdelay $0x3  }
0x33: {  	p0 =	seq.s32 s10, $0x1;
	s10 =	sld [smem:$0x3FBA];
	_ =	sdelay $0x3  }
0x34: {  	[smem:$0x3FBA] =	sst s10  }
0x35: {  	s10 =	sld [smem:$0x3FB9];
	_ =	sdelay $0x3  }
0x36: {  	p1 =	seq.s32 s10, $0x1;
	s10 =	sld [smem:$0x3FBA];
	_ =	sdelay $0x3  }
0x37: {  	[smem:$0x3FBA] =	sst s10  }
0x38: {  	s10 =	sld [smem:$0x3FBB]  }
0x39: {  	_ = 	snop;
	(pc) =	sbr.ind lr, $3  }
0x3a: {  	_ = 	snop  }
0x3b: {  	_ = 	snop  }
0x3c: {  	p2 =	seq.s32 s10, $0x1;
	s10 =	sld [smem:$0x3FBA]  }
0x3d: {  	_ =	shalt  }
0x3e: {  	_ =	shalt  }
0x3f: {  	_ =	shalt  }
0x40: {  	_ =	shalt  }
0x41: {  	_ =	shalt  }
0x42: {  	_ =	shalt  }
0x43: {  	_ =	shalt  }
0x44: {  	_ =	shalt  }
0x45: {  	_ =	shalt  }
0x46: {  	_ =	shalt  }
0x47: {  	_ =	shalt  }
0x48: {  	_ =	shalt  }
0x49: {  	_ =	shalt  }
0x4a: {  	_ =	shalt  }
0x4b: {  	_ =	shalt  }
0x4c: {  	_ =	shalt  }
0x4d: {  	_ =	shalt  }
0x4e: {  	_ =	shalt  }
0x4f: {  	_ =	shalt  }
0x50: {  	_ =	shalt  }
0x51: {  	_ =	shalt  }
0x52: {  	_ =	shalt  }
0x53: {  	_ =	shalt  }
0x54: {  	_ =	shalt  }
0x55: {  	_ =	shalt  }
0x56: {  	_ =	shalt  }
0x57: {  	_ =	shalt  }
0x58: {  	_ =	shalt  }
0x59: {  	_ =	shalt  }
0x5a: {  	_ =	shalt  }
0x5b: {  	_ =	shalt  }
0x5c: {  	_ =	shalt  }
0x5d: {  	_ =	shalt  }
0x5e: {  	_ =	shalt  }
0x5f: {  	_ =	shalt  }
0x60: {  	_ =	shalt  }
0x61: {  	_ =	shalt  }
0x62: {  	_ =	shalt  }
0x63: {  	_ =	shalt  }
0x64: {  	_ =	shalt  }
0x65: {  	_ =	shalt  }
0x66: {  	_ =	shalt  }
0x67: {  	_ =	shalt  }
0x68: {  	_ =	shalt  }
0x69: {  	_ =	shalt  }
0x6a: {  	_ =	shalt  }
0x6b: {  	_ =	shalt  }
0x6c: {  	_ =	shalt  }
0x6d: {  	_ =	shalt  }
0x6e: {  	_ =	shalt  }
0x6f: {  	_ =	shalt  }
0x70: {  	_ =	shalt  }
0x71: {  	_ =	shalt  }
0x72: {  	_ =	shalt  }
0x73: {  	_ =	shalt  }
0x74: {  	_ =	shalt  }
0x75: {  	_ =	shalt  }
0x76: {  	_ =	shalt  }
0x77: {  	_ =	shalt  }
0x78: {  	_ =	shalt  }
0x79: {  	_ =	shalt  }
0x7a: {  	_ =	shalt  }
0x7b: {  	_ =	shalt  }
0x7c: {  	_ =	shalt  }
0x7d: {  	_ =	shalt  }
0x7e: {  	_ =	shalt  }
0x7f: {  	_ =	shalt  }
0x80: {  	_ =	shalt  }
0x81: {  	_ =	shalt  }
0x82: {  	_ =	shalt  }
0x83: {  	_ =	shalt  }
0x84: {  	_ =	shalt  }
0x85: {  	_ =	shalt  }
0x86: {  	_ =	shalt  }
0x87: {  	_ =	shalt  }
.Lfunc_end0:
.L_simem_size_0:
called_computation_lowered:
.L_overlay_start_0:
0x88: {  	s2 =	sld [smem:$0x3FD9]  }
0x89: {  	s3 =	sld [smem:$0x3FFE];
	_ =	sdelay $0x1  }
0x8a: {  	s1 =	srdreg.scid  }
0x8b: {  	s0 =	sand.u32 $0x1, s1  }
0x8c: {  	s18 =	sshll.u32 s0, $0xA;
	s2 =	sadd.s32 s3, s2  }
0x8d: {  	s2 =	sadd.s32 s2, s18  }
0x8e: {  	[smem:$0x3FC6] =	sst s2  }
0x8f: {  	_ = 	snop  }
0x90: {  	s2 =	sld [smem:$0x3FC9]  }
0x91: {  	s19 =	sld [smem:$0x3FC8]  }
0x92: {  	s4 =	sld [smem:$0x3FD0];
	(tm) =	ssettm $0x1  }
0x93: {  	s5 =	sld [smem:$0x3FFB];
	_ =	sdelay $0x3  }
0x94: {  	_ =	strace s5  }
0x95: {  	s5 =	sld [smem:$0x3FFC];
	_ =	sdelay $0x3  }
0x96: {  	_ =	strace s5  }
0x97: {  	s5 =	sld [smem:$0x3FFD];
	_ =	sdelay $0x3  }
0x98: {  	_ =	strace s5  }
0x99: {  	_ =	strace $0x8FFFFFFF  }
0x9a: {  	s20 =	sld [smem:$0x3FDB];
	_ =	sdelay $0x1  }
0x9b: {  	s6 =	simm.s32 $_scs_section_size  }
0x9c: {  	s7 =	simm.s32 $_size__tile_overlayer_lowered;
	s8 =	simm.s32 $_tile_overlayer_lowered  }
0x9d: {  	s23 =	simm.s32 $0x1BFF;
	s22 =	sshll.u32 s8, $0x1;
	s5 =	sadd.s32 s6, s20  }
0x9e: {  	s9 =	simm.s32 $0x0;
	s21 =	sshll.u32 s7, $0x1;
	s7 =	sadd.s32 s22, s5  }
0x9f: {  	[timem:s9], [sflag:s23] =	dma.local [hbm:s7], s21  }
0xa0: {  	_ =	swait.ge [sflag:s23], s21  }
0xa1: {  	s6 =	ssub.s32 $0x0, s21;
	[sflag:s23] =	ssyncset.done $0x0  }
0xa2: {  	[sflag:s23] =	ssyncadd.s32 s6;
	_ =	sdelay $0x1  }
0xa3: {  	s24 =	simm.s32 $0x1B8B  }
0xa4: {  	_ =	swait.ge [sflag:s24], $0x1  }
0xa5: {  	[sflag:s24] =	ssyncset.done $0x0  }
0xa6: {  	s25 =	simm.s32 $0x1B8E;
	[sflag:s24] =	ssyncadd.s32 $0xFFFFFFFF  }
0xa7: {  	s26 =	simm.s32 $execute0_lowered;
	[smem:$0x3FD2] =	sst s25  }
0xa8: {  	s6 =	sshll.u32 s26, $0x1;
	_ =	strace $0x80000046;
	[dreg:$0x1] =	wrdreg $0xFFFFFFFF  }
0xa9: {  	s28 =	simm.s32 $_size_execute0_lowered;
	s5 =	sadd.s32 s5, s6;
	[dreg:$0x0] =	wrdreg $0x0  }
0xaa: {  	s6 =	sshll.u32 s28, $0x1;
	[dreg:$0x2] =	wrdreg s5  }
0xab: {  	[dreg:$0x3] =	wrdreg s6  }
0xac: {  	[dreg:$0x4] =	wrdreg $0xC0  }
0xad: {  	_ =	task [dreg:s9], $0x5FFFF  }
0xae: {  	[dreg:$0x1] =	wrdreg $0xFFFFFFFF  }
0xaf: {  	[dreg:$0x0] =	wrdreg $0x60  }
0xb0: {  	[dreg:$0x2] =	wrdreg s19  }
0xb1: {  	[dreg:$0x3] =	wrdreg s2  }
0xb2: {  	[dreg:$0x4] =	wrdreg s4  }
0xb3: {  	[dreg:$0x5] =	wrdreg $0x9  }
0xb4: {  	_ =	task.clear_ibuf [dreg:s9], $0x6FFFF;
	_ =	strace $0x90000046  }
0xb5: {  	s29 =	simm.s32 $0x9;
	_ =	strace $0x80000048  }
0xb6: {  	_ =	swait.ge [sflag:s29], $0x1  }
0xb7: {  	[sflag:s29] =	ssyncadd.s32 $0xFFFFFFFF  }
0xb8: {  	_ =	strace $0x90000048  }
0xb9: {  	_ =	sfence  }
0xba: {  	s30 =	sld [smem:$0x0];
	_ =	sdelay $0x2  }
0xbb: {  	s31 =	sshll.u32 s1, $0xD;
	s1 =	sshrl.u32 s1, $0x2  }
0xbc: {  	s3 =	sand.u32 $0x4000, s31;
	s1 =	sadd.s32 s1, s30  }
0xbd: {  	s0 =	sor.u32 s3, s0;
	s1 =	sshll.u32 s1, $0x11  }
0xbe: {  	s0 =	sor.u32 s1, s0  }
0xbf: {  	s0 =	sadd.s32 $0x8F2B, s0  }
0xc0: {  	[sflag:s0] =	ssyncadd.remote.s32 $0x1  }
0xc1: {  	_ =	sfence.sel $0xFFFF  }
0xc2: {  	[dreg:$0x0] =	wrdreg $0xFFFFFFFF;
	(pc) =	sbr.abs _section_cstart, $3  }
0xc3: {  	[dreg:$0x1] =	wrdreg $0xFFFFFFFF  }
0xc4: {  	_ =	task.clear_ibuf [dreg:s9], $0x2FFFF;
	_ =	strace $0x9FFFFFFF  }
0xc5: {  	(tm) =	ssettm $0x7FFFFFFF  }
tec
execute0_lowered:
.L_overlay_start_1:
0x0: {  	(tag) =	ssettag $0x1  }
0x1: {  	s11 =	rddreg [dreg:$0x0]  }
0x2: {  	s1 =	rddreg [dreg:$0x1]  }
0x3: {  	s2 =	rddreg [dreg:$0x2]  }
0x4: {  	s0 =	rddreg [dreg:$0x3];
	s4 =	simm.s32 $0x0  }
0x5: {  	s5 =	srdreg.scid;
	s3 =	stileid.u32;
	s14 =	simm.s32 $0x400  }
0x6: {  	s15 =	simm.s32 $0x1;
	s16 =	simm.s32 $0x2;
	s17 =	simm.s32 $0x3  }
0x7: {  	s18 =	simm.s32 $0x4;
	s19 =	simm.s32 $0x5;
	s20 =	simm.s32 $0x0  }
0x8: {  	[smem:$0x7FF] =	sst s4;
	s5 =	sand.u32 $0x1, s5;
	s6 =	sshll.u32 s3, $0x9  }
0x9: {  	s9 =	sshrl.u32 s3, $0x1;
	s7 =	sshll.u32 s5, $0x8;
	s6 =	sand.u32 $0x200, s6  }
0xa: {  	s8 =	smul.u32 $0xC3800, s9;
	_ =	strace $0x80000047;
	s10 =	ssub.s32 $0x2, s5  }
0xb: {  	s9 =	sshll.u32 s9, $0xF;
	s5 =	sor.u32 s7, s6;
	s28 =	sshrl.u32 s10, $0x1  }
0xc: {  	s12 =	sor.u32 s8, s5;
	s6 =	sor.u32 $0x80, s5;
	s13 =	ssub.s32 s10, s28  }
0xd: {  	s10 =	sadd.s32 $0x8000, s2;
	s29 =	sshrl.u32 s12, $0x3;
	s30 =	sor.u32 s8, s6  }
0xe: {  	s8 =	sadd.s32 $0x10, s1;
	s12 =	smax.u32 s13, $0x1;
	s31 =	sshrl.u32 s30, $0x3  }
0xf: {  	s13 =	simm.s32 $0x80;
	s7 =	sadd.s32 s11, s29;
	s11 =	sadd.s32 s11, s31  }
.LBB2_1:
0x10: {  	[tilespmem:s4], [sflag:$0x1] =	stream.strided.gather [hbm4b:s7+s13], $0x18700, s14, s13, $0x38;
	[tilespmem:$0x1C700] =	vst v63  }
0x11: {  	s21 =	simm.s32 $0x18700  }
0x12: {  	s22 =	simm.s32 $0x80;
	s24 =	sadd.s32 $0x0, s1;
	s23 =	simm.s32 $0x18800  }
.LBB2_2:
0x13: {  	[tilespmem:s21], [sflag:$0x2] =	stream.linear.gather [hbm4b:s24+s4], $0x80, $0x38;
	[tilespmem:$0x1C700] =	vst v63  }
0x14: {  	s24 =	smov.u32 s22;
	s21 =	smov.u32 s23;
	p0 =	sne.s32 s22, $0xF80  }
.Ltmp0:
0x15: {  	s22 =	sadd.s32 $0x80, s22;
	(pc) =	sbr.rel @p0 .LBB2_2-.Ltmp0, $2  }
0x16: {  	_ =	sdelay $0x2  }
0x17: {  	s23 =	sadd.s32 $0x100, s23;
	s24 =	sadd.s32 s24, s1  }
0x18: {  	[tilespmem:s21], [sflag:$0x2] =	stream.linear.gather [hbm4b:s24+s4], $0x80, $0x38;
	[tilespmem:$0x1C700] =	vst v63  }
0x19: {  	s21 =	simm.s32 $0x18780  }
0x1a: {  	s22 =	simm.s32 $0x80;
	s24 =	sadd.s32 $0x0, s8;
	s23 =	simm.s32 $0x18880  }
.LBB2_4:
0x1b: {  	[tilespmem:s21], [sflag:$0x3] =	stream.linear.gather [hbm4b:s24+s4], $0x80, $0x38;
	[tilespmem:$0x1C700] =	vst v63  }
0x1c: {  	s24 =	smov.u32 s22;
	s21 =	smov.u32 s23;
	p0 =	sne.s32 s22, $0xF80  }
.Ltmp1:
0x1d: {  	s22 =	sadd.s32 $0x80, s22;
	(pc) =	sbr.rel @p0 .LBB2_4-.Ltmp1, $2  }
0x1e: {  	_ =	sdelay $0x2  }
0x1f: {  	s23 =	sadd.s32 $0x100, s23;
	s24 =	sadd.s32 s24, s8  }
0x20: {  	[tilespmem:s21], [sflag:$0x3] =	stream.linear.gather [hbm4b:s24+s4], $0x80, $0x38;
	[tilespmem:$0x1C700] =	vst v63  }
0x21: {  	_ =	swait.ge [sflag:s15], $0x18700  }
0x22: {  	[sflag:s15] =	ssyncset.done $0x0  }
0x23: {  	s21 =	simm.s32 $0x0;
	[sflag:s15] =	ssyncadd.s32 $0xFFFE7900  }
.LBB2_6:
0x24: {  	_ =	swait.ge [sflag:s16], $0x1000  }
0x25: {  	p0 =	seq.s32 s21, $0x0;
	[sflag:s16] =	ssyncset.done $0x0  }
0x26: {  	s22 =	simm.s32 @!p0 $0x4;
	[sflag:s16] =	ssyncadd.s32 $0xFFFFF000  }
0x27: {  	_ =	swait.ge @!p0 [sflag:s22], $0x1000  }
0x28: {  	[sflag:s22] =	ssyncset.done @!p0 $0x0  }
0x29: {  	s31 =	simm.s32 $0x18900;
	[sflag:s22] =	ssyncadd.s32 @!p0 $0xFFFFF000  }
0x2a: {  	v0 =	vld [tilespmem:s31+$0x170]  }
0x2b: {  	v1 =	vld [tilespmem:s31+$0xFFFFFE10]  }
0x2c: {  	v2 =	vld [tilespmem:s31+$0xFFFFFE20]  }
0x2d: {  	v3 =	vld [tilespmem:s31+$0xFFFFFE30]  }
0x2e: {  	v4 =	vld [tilespmem:s31+$0xFFFFFE40]  }
0x2f: {  	v5 =	vld [tilespmem:s31+$0xFFFFFE50]  }
0x30: {  	v6 =	vld [tilespmem:s31+$0xFFFFFE60]  }
0x31: {  	v7 =	vld [tilespmem:s31+$0xFFFFFE70]  }
0x32: {  	v8 =	vld [tilespmem:s31+$0xFFFFFF00]  }
0x33: {  	v9 =	vld [tilespmem:s31+$0xFFFFFF10]  }
0x34: {  	v10 =	vld [tilespmem:s31+$0xFFFFFF20]  }
0x35: {  	v11 =	vld [tilespmem:s31+$0xFFFFFF30]  }
0x36: {  	v12 =	vld [tilespmem:s31+$0xFFFFFF40]  }
0x37: {  	v13 =	vld [tilespmem:s31+$0xFFFFFF50]  }
0x38: {  	v14 =	vld [tilespmem:s31+$0xFFFFFF60]  }
0x39: {  	v15 =	vld [tilespmem:s31+$0xFFFFFF70]  }
0x3a: {  	v16 =	vld [tilespmem:s31+$0x0]  }
0x3b: {  	v17 =	vld [tilespmem:s31+$0x10]  }
0x3c: {  	v18 =	vld [tilespmem:s31+$0x20]  }
0x3d: {  	v19 =	vld [tilespmem:s31+$0x30]  }
0x3e: {  	v20 =	vld [tilespmem:s31+$0x40]  }
0x3f: {  	v21 =	vld [tilespmem:s31+$0x50]  }
0x40: {  	v22 =	vld [tilespmem:s31+$0x60]  }
0x41: {  	v23 =	vld [tilespmem:s31+$0x70]  }
0x42: {  	v24 =	vld [tilespmem:s31+$0x100]  }
0x43: {  	v25 =	vld [tilespmem:s31+$0x110]  }
0x44: {  	v26 =	vld [tilespmem:s31+$0x120]  }
0x45: {  	v27 =	vld [tilespmem:s31+$0x130]  }
0x46: {  	v28 =	vld [tilespmem:s31+$0x140]  }
0x47: {  	v29 =	vld [tilespmem:s31+$0x150]  }
0x48: {  	v30 =	vld [tilespmem:s31+$0x160]  }
0x49: {  	v31 =	vld [tilespmem:s31+$0xFFFFFE00]  }
0x4a: {  	v0 =	vld.idx.msk [tilespmem:v0+s4+$0x0], $0xffff  }
0x4b: {  	v1 =	vld.idx.msk [tilespmem:v1+s4+$0x0], $0xffff  }
0x4c: {  	v2 =	vld.idx.msk [tilespmem:v2+s4+$0x0], $0xffff  }
0x4d: {  	v3 =	vld.idx.msk [tilespmem:v3+s4+$0x0], $0xffff  }
0x4e: {  	v4 =	vld.idx.msk [tilespmem:v4+s4+$0x0], $0xffff  }
0x4f: {  	s23 =	simm.s32 $0x1A900;
	v5 =	vld.idx.msk [tilespmem:v5+s4+$0x0], $0xffff  }
0x50: {  	[tilespmem:s23+$0x170] =	vst v0;
	v0 =	vld.idx.msk [tilespmem:v6+s4+$0x0], $0xffff  }
0x51: {  	[tilespmem:s23+$0xFFFFFE10] =	vst v1;
	v1 =	vld.idx.msk [tilespmem:v7+s4+$0x0], $0xffff  }
0x52: {  	v6 =	vld.idx.msk [tilespmem:v31+s4+$0x0], $0xffff;
	[tilespmem:s23+$0xFFFFFE20] =	vst v2  }
0x53: {  	[tilespmem:s23+$0xFFFFFE30] =	vst v3;
	v2 =	vld.idx.msk [tilespmem:v8+s4+$0x0], $0xffff  }
0x54: {  	[tilespmem:s23+$0xFFFFFE40] =	vst v4;
	v3 =	vld.idx.msk [tilespmem:v9+s4+$0x0], $0xffff  }
0x55: {  	[tilespmem:s23+$0xFFFFFE50] =	vst v5;
	v4 =	vld.idx.msk [tilespmem:v10+s4+$0x0], $0xffff  }
0x56: {  	v5 =	vld.idx.msk [tilespmem:v13+s4+$0x0], $0xffff;
	[tilespmem:s23+$0xFFFFFE60] =	vst v0  }
0x57: {  	v7 =	vld.idx.msk [tilespmem:v24+s4+$0x0], $0xffff;
	[tilespmem:s23+$0xFFFFFE70] =	vst v1  }
0x58: {  	v0 =	vld.idx.msk [tilespmem:v11+s4+$0x0], $0xffff;
	[tilespmem:s23+$0xFFFFFE00] =	vst v6  }
0x59: {  	v1 =	vld.idx.msk [tilespmem:v12+s4+$0x0], $0xffff;
	[tilespmem:s23+$0xFFFFFF00] =	vst v2  }
0x5a: {  	v2 =	vld.idx.msk [tilespmem:v14+s4+$0x0], $0xffff;
	[tilespmem:s23+$0xFFFFFF10] =	vst v3  }
0x5b: {  	v3 =	vld.idx.msk [tilespmem:v15+s4+$0x0], $0xffff;
	[tilespmem:s23+$0xFFFFFF20] =	vst v4  }
0x5c: {  	v4 =	vld.idx.msk [tilespmem:v16+s4+$0x0], $0xffff;
	[tilespmem:s23+$0xFFFFFF50] =	vst v5  }
0x5d: {  	v5 =	vld.idx.msk [tilespmem:v19+s4+$0x0], $0xffff;
	[tilespmem:s23+$0x100] =	vst v7  }
0x5e: {  	v6 =	vld.idx.msk [tilespmem:v23+s4+$0x0], $0xffff;
	[tilespmem:s23+$0xFFFFFF30] =	vst v0  }
0x5f: {  	v0 =	vld.idx.msk [tilespmem:v17+s4+$0x0], $0xffff;
	[tilespmem:s23+$0xFFFFFF40] =	vst v1  }
0x60: {  	v1 =	vld.idx.msk [tilespmem:v18+s4+$0x0], $0xffff;
	[tilespmem:s23+$0xFFFFFF60] =	vst v2  }
0x61: {  	v2 =	vld.idx.msk [tilespmem:v20+s4+$0x0], $0xffff;
	[tilespmem:s23+$0xFFFFFF70] =	vst v3  }
0x62: {  	v3 =	vld.idx.msk [tilespmem:v21+s4+$0x0], $0xffff;
	[tilespmem:s23+$0x0] =	vst v4  }
0x63: {  	v4 =	vld.idx.msk [tilespmem:v22+s4+$0x0], $0xffff;
	[tilespmem:s23+$0x30] =	vst v5  }
0x64: {  	[tilespmem:s23+$0x70] =	vst v6;
	v5 =	vld.idx.msk [tilespmem:v30+s4+$0x0], $0xffff  }
0x65: {  	[tilespmem:s23+$0x10] =	vst v0;
	v0 =	vld.idx.msk [tilespmem:v25+s4+$0x0], $0xffff  }
0x66: {  	[tilespmem:s23+$0x20] =	vst v1;
	v1 =	vld.idx.msk [tilespmem:v26+s4+$0x0], $0xffff  }
0x67: {  	[tilespmem:s23+$0x40] =	vst v2;
	v2 =	vld.idx.msk [tilespmem:v27+s4+$0x0], $0xffff  }
0x68: {  	[tilespmem:s23+$0x50] =	vst v3;
	v3 =	vld.idx.msk [tilespmem:v28+s4+$0x0], $0xffff  }
0x69: {  	s24 =	simm.s32 $0x0;
	s25 =	simm.s32 $0x18D00;
	s22 =	sshll.u32 s21, $0x1;
	[tilespmem:s23+$0x60] =	vst v4;
	v4 =	vld.idx.msk [tilespmem:v29+s4+$0x0], $0xffff  }
.LBB2_7:
0x6a: {  	v6 =	vld [tilespmem:s25+$0x170];
	s24 =	sadd.s32 $0x20, s24;
	[tilespmem:s23+$0x110] =	vst v0  }
0x6b: {  	v0 =	vld [tilespmem:s25+$0xFFFFFE10];
	p1 =	slt.u32 s24, $0xE0;
	[tilespmem:s23+$0x120] =	vst v1  }
0x6c: {  	v1 =	vld [tilespmem:s25+$0xFFFFFE20];
	[tilespmem:s23+$0x130] =	vst v2  }
0x6d: {  	v2 =	vld [tilespmem:s25+$0xFFFFFE30];
	[tilespmem:s23+$0x140] =	vst v3  }
0x6e: {  	v3 =	vld [tilespmem:s25+$0xFFFFFE40];
	[tilespmem:s23+$0x150] =	vst v4  }
0x6f: {  	v4 =	vld [tilespmem:s25+$0xFFFFFE50];
	[tilespmem:s23+$0x160] =	vst v5  }
0x70: {  	v5 =	vld [tilespmem:s25+$0xFFFFFE60]  }
0x71: {  	v7 =	vld [tilespmem:s25+$0xFFFFFE70]  }
0x72: {  	v6 =	vld.idx.msk [tilespmem:v6+s4+$0x0], $0xffff  }
0x73: {  	v8 =	vld [tilespmem:s25+$0xFFFFFF00]  }
0x74: {  	v9 =	vld [tilespmem:s25+$0xFFFFFF10]  }
0x75: {  	v10 =	vld [tilespmem:s25+$0xFFFFFF20]  }
0x76: {  	v11 =	vld [tilespmem:s25+$0xFFFFFF30]  }
0x77: {  	s23 =	sadd.s32 $0x400, s23;
	v12 =	vld [tilespmem:s25+$0xFFFFFF40]  }
0x78: {  	v13 =	vld [tilespmem:s25+$0xFFFFFF50];
	[tilespmem:s23+$0x170] =	vst v6  }
0x79: {  	v6 =	vld [tilespmem:s25+$0xFFFFFF60]  }
0x7a: {  	v14 =	vld [tilespmem:s25+$0xFFFFFF70]  }
0x7b: {  	v15 =	vld [tilespmem:s25+$0x0]  }
0x7c: {  	v16 =	vld [tilespmem:s25+$0x10]  }
0x7d: {  	v17 =	vld [tilespmem:s25+$0x20]  }
0x7e: {  	v18 =	vld [tilespmem:s25+$0x30]  }
0x7f: {  	v19 =	vld [tilespmem:s25+$0x40]  }
0x80: {  	v20 =	vld [tilespmem:s25+$0x50]  }
0x81: {  	v21 =	vld [tilespmem:s25+$0x60]  }
0x82: {  	v22 =	vld [tilespmem:s25+$0x70]  }
0x83: {  	v23 =	vld [tilespmem:s25+$0x100]  }
0x84: {  	v24 =	vld [tilespmem:s25+$0x110]  }
0x85: {  	v25 =	vld [tilespmem:s25+$0x120]  }
0x86: {  	v26 =	vld [tilespmem:s25+$0x130]  }
0x87: {  	v27 =	vld [tilespmem:s25+$0x140]  }
0x88: {  	v28 =	vld [tilespmem:s25+$0x150]  }
0x89: {  	v29 =	vld [tilespmem:s25+$0x160]  }
0x8a: {  	v30 =	vld [tilespmem:s25+$0xFFFFFE00]  }
0x8b: {  	v0 =	vld.idx.msk [tilespmem:v0+s4+$0x0], $0xffff  }
0x8c: {  	v1 =	vld.idx.msk [tilespmem:v1+s4+$0x0], $0xffff  }
0x8d: {  	v2 =	vld.idx.msk [tilespmem:v2+s4+$0x0], $0xffff  }
0x8e: {  	v3 =	vld.idx.msk [tilespmem:v3+s4+$0x0], $0xffff  }
0x8f: {  	v4 =	vld.idx.msk [tilespmem:v4+s4+$0x0], $0xffff  }
0x90: {  	v5 =	vld.idx.msk [tilespmem:v5+s4+$0x0], $0xffff  }
0x91: {  	[tilespmem:s23+$0xFFFFFE10] =	vst v0;
	v0 =	vld.idx.msk [tilespmem:v7+s4+$0x0], $0xffff  }
0x92: {  	v7 =	vld.idx.msk [tilespmem:v30+s4+$0x0], $0xffff;
	[tilespmem:s23+$0xFFFFFE20] =	vst v1  }
0x93: {  	[tilespmem:s23+$0xFFFFFE30] =	vst v2;
	v1 =	vld.idx.msk [tilespmem:v8+s4+$0x0], $0xffff  }
0x94: {  	[tilespmem:s23+$0xFFFFFE40] =	vst v3;
	v2 =	vld.idx.msk [tilespmem:v9+s4+$0x0], $0xffff  }
0x95: {  	[tilespmem:s23+$0xFFFFFE50] =	vst v4;
	v3 =	vld.idx.msk [tilespmem:v10+s4+$0x0], $0xffff  }
0x96: {  	[tilespmem:s23+$0xFFFFFE60] =	vst v5;
	v4 =	vld.idx.msk [tilespmem:v11+s4+$0x0], $0xffff  }
0x97: {  	[tilespmem:s23+$0xFFFFFE70] =	vst v0;
	v0 =	vld.idx.msk [tilespmem:v12+s4+$0x0], $0xffff  }
0x98: {  	[tilespmem:s23+$0xFFFFFE00] =	vst v7;
	v5 =	vld.idx.msk [tilespmem:v13+s4+$0x0], $0xffff  }
0x99: {  	[tilespmem:s23+$0xFFFFFF00] =	vst v1;
	v1 =	vld.idx.msk [tilespmem:v6+s4+$0x0], $0xffff  }
0x9a: {  	[tilespmem:s23+$0xFFFFFF10] =	vst v2;
	v2 =	vld.idx.msk [tilespmem:v14+s4+$0x0], $0xffff  }
0x9b: {  	[tilespmem:s23+$0xFFFFFF20] =	vst v3;
	v3 =	vld.idx.msk [tilespmem:v15+s4+$0x0], $0xffff  }
0x9c: {  	[tilespmem:s23+$0xFFFFFF30] =	vst v4;
	v4 =	vld.idx.msk [tilespmem:v16+s4+$0x0], $0xffff  }
0x9d: {  	[tilespmem:s23+$0xFFFFFF40] =	vst v0;
	v0 =	vld.idx.msk [tilespmem:v17+s4+$0x0], $0xffff  }
0x9e: {  	[tilespmem:s23+$0xFFFFFF50] =	vst v5;
	v5 =	vld.idx.msk [tilespmem:v18+s4+$0x0], $0xffff  }
0x9f: {  	[tilespmem:s23+$0xFFFFFF60] =	vst v1;
	v1 =	vld.idx.msk [tilespmem:v19+s4+$0x0], $0xffff  }
0xa0: {  	[tilespmem:s23+$0xFFFFFF70] =	vst v2;
	v2 =	vld.idx.msk [tilespmem:v20+s4+$0x0], $0xffff  }
0xa1: {  	[tilespmem:s23+$0x0] =	vst v3;
	v3 =	vld.idx.msk [tilespmem:v21+s4+$0x0], $0xffff  }
0xa2: {  	[tilespmem:s23+$0x10] =	vst v4;
	v4 =	vld.idx.msk [tilespmem:v22+s4+$0x0], $0xffff  }
0xa3: {  	[tilespmem:s23+$0x20] =	vst v0;
	v6 =	vld.idx.msk [tilespmem:v23+s4+$0x0], $0xffff  }
0xa4: {  	[tilespmem:s23+$0x30] =	vst v5;
	v0 =	vld.idx.msk [tilespmem:v24+s4+$0x0], $0xffff  }
.Ltmp2:
0xa5: {  	[tilespmem:s23+$0x40] =	vst v1;
	v1 =	vld.idx.msk [tilespmem:v25+s4+$0x0], $0xffff;
	(pc) =	sbr.rel @p1 .LBB2_7-.Ltmp2, $4  }
0xa6: {  	[tilespmem:s23+$0x50] =	vst v2;
	v2 =	vld.idx.msk [tilespmem:v26+s4+$0x0], $0xffff  }
0xa7: {  	[tilespmem:s23+$0x60] =	vst v3;
	v3 =	vld.idx.msk [tilespmem:v27+s4+$0x0], $0xffff  }
0xa8: {  	[tilespmem:s23+$0x70] =	vst v4;
	v4 =	vld.idx.msk [tilespmem:v28+s4+$0x0], $0xffff  }
0xa9: {  	s25 =	sadd.s32 $0x400, s25;
	[tilespmem:s23+$0x100] =	vst v6;
	v5 =	vld.idx.msk [tilespmem:v29+s4+$0x0], $0xffff  }
0xaa: {  	[tilespmem:s23+$0x110] =	vst v0;
	p1 =	seq.s32 s21, $0x18  }
.Ltmp3:
0xab: {  	[tilespmem:s23+$0x120] =	vst v1;
	(pc) =	sbr.rel @p1 .LBB2_12-.Ltmp3, $4  }
0xac: {  	[tilespmem:s23+$0x130] =	vst v2  }
0xad: {  	[tilespmem:s23+$0x140] =	vst v3  }
0xae: {  	[tilespmem:s23+$0x150] =	vst v4  }
0xaf: {  	[tilespmem:s23+$0x160] =	vst v5  }
0xb0: {  	s23 =	sadd.s32 $0x2, s22  }
0xb1: {  	s24 =	sshll.u32 s23, $0x4  }
0xb2: {  	s23 =	sshll.u32 s23, $0x9;
	s24 =	sand.u32 $0x60, s24  }
0xb3: {  	s23 =	sand.u32 $0xF000, s23;
	s24 =	sadd.s32 s1, s24  }
0xb4: {  	s25 =	simm.s32 $0x80;
	s23 =	sadd.s32 s23, s24  }
0xb5: {  	s26 =	simm.s32 $0x18800;
	s24 =	simm.s32 $0x18700;
	s28 =	sadd.s32 $0x0, s23  }
.LBB2_10:
0xb6: {  	[tilespmem:s24], [sflag:$0x2] =	stream.linear.gather [hbm4b:s28+s4], $0x80, $0x38;
	[tilespmem:$0x1C700] =	vst v63  }
0xb7: {  	s28 =	smov.u32 s25;
	s24 =	smov.u32 s26;
	p2 =	sne.s32 s25, $0xF80  }
.Ltmp4:
0xb8: {  	s25 =	sadd.s32 $0x80, s25;
	(pc) =	sbr.rel @p2 .LBB2_10-.Ltmp4, $2  }
0xb9: {  	_ =	sdelay $0x2  }
0xba: {  	s26 =	sadd.s32 $0x100, s26;
	s28 =	sadd.s32 s28, s23  }
0xbb: {  	[tilespmem:s24], [sflag:$0x2] =	stream.linear.gather [hbm4b:s28+s4], $0x80, $0x38;
	[tilespmem:$0x1C700] =	vst v63  }
.LBB2_12:
0xbc: {  	s23 =	sshll.u32 s21, $0x13  }
0xbd: {  	s23 =	sor.u32 s23, s9  }
0xbe: {  	s23 =	sor.u32 s5, s23  }
0xbf: {  	s23 =	sshrl.u32 s23, $0x3  }
0xc0: {  	s25 =	simm.s32 $0x1A700;
	s24 =	sadd.s32 s2, s23  }
0xc1: {  	s26 =	simm.s32 $0x80;
	s28 =	simm.s32 $0x1A800;
	s29 =	sadd.s32 $0x0, s24  }
.LBB2_13:
0xc2: {  	[hbm4b:s29+s4] =	stream.linear.scatter [tilespmem:s25], [sflag:$0x4], $0x80, $0x38;
	[tilespmem:$0x1C700] =	vst v63  }
0xc3: {  	s29 =	smov.u32 s26;
	s25 =	smov.u32 s28;
	p2 =	sne.s32 s26, $0xF80  }
.Ltmp5:
0xc4: {  	s26 =	sadd.s32 $0x80, s26;
	(pc) =	sbr.rel @p2 .LBB2_13-.Ltmp5, $2  }
0xc5: {  	_ =	sdelay $0x2  }
0xc6: {  	s28 =	sadd.s32 $0x100, s28;
	s29 =	sadd.s32 s29, s24  }
0xc7: {  	[hbm4b:s29+s4] =	stream.linear.scatter [tilespmem:s25], [sflag:$0x4], $0x80, $0x38;
	[tilespmem:$0x1C700] =	vst v63  }
0xc8: {  	_ =	swait.ge [sflag:s17], $0x1000  }
0xc9: {  	[sflag:s17] =	ssyncset.done $0x0  }
0xca: {  	s24 =	simm.s32 @!p0 $0x5;
	[sflag:s17] =	ssyncadd.s32 $0xFFFFF000  }
0xcb: {  	_ =	swait.ge @!p0 [sflag:s24], $0x1000  }
0xcc: {  	[sflag:s24] =	ssyncset.done @!p0 $0x0  }
0xcd: {  	s31 =	simm.s32 $0x18980;
	[sflag:s24] =	ssyncadd.s32 @!p0 $0xFFFFF000  }
0xce: {  	v0 =	vld [tilespmem:s31+$0x170]  }
0xcf: {  	v1 =	vld [tilespmem:s31+$0xFFFFFE10]  }
0xd0: {  	v2 =	vld [tilespmem:s31+$0xFFFFFE20]  }
0xd1: {  	v3 =	vld [tilespmem:s31+$0xFFFFFE30]  }
0xd2: {  	v4 =	vld [tilespmem:s31+$0xFFFFFE40]  }
0xd3: {  	v5 =	vld [tilespmem:s31+$0xFFFFFE50]  }
0xd4: {  	v6 =	vld [tilespmem:s31+$0xFFFFFE60]  }
0xd5: {  	v7 =	vld [tilespmem:s31+$0xFFFFFE70]  }
0xd6: {  	v8 =	vld [tilespmem:s31+$0xFFFFFF00]  }
0xd7: {  	v9 =	vld [tilespmem:s31+$0xFFFFFF10]  }
0xd8: {  	v10 =	vld [tilespmem:s31+$0xFFFFFF20]  }
0xd9: {  	v11 =	vld [tilespmem:s31+$0xFFFFFF30]  }
0xda: {  	v12 =	vld [tilespmem:s31+$0xFFFFFF40]  }
0xdb: {  	v13 =	vld [tilespmem:s31+$0xFFFFFF50]  }
0xdc: {  	v14 =	vld [tilespmem:s31+$0xFFFFFF60]  }
0xdd: {  	v15 =	vld [tilespmem:s31+$0xFFFFFF70]  }
0xde: {  	v16 =	vld [tilespmem:s31+$0x0]  }
0xdf: {  	v17 =	vld [tilespmem:s31+$0x10]  }
0xe0: {  	v18 =	vld [tilespmem:s31+$0x20]  }
0xe1: {  	v19 =	vld [tilespmem:s31+$0x30]  }
0xe2: {  	v20 =	vld [tilespmem:s31+$0x40]  }
0xe3: {  	v21 =	vld [tilespmem:s31+$0x50]  }
0xe4: {  	v22 =	vld [tilespmem:s31+$0x60]  }
0xe5: {  	v23 =	vld [tilespmem:s31+$0x70]  }
0xe6: {  	v24 =	vld [tilespmem:s31+$0x100]  }
0xe7: {  	v25 =	vld [tilespmem:s31+$0x110]  }
0xe8: {  	v26 =	vld [tilespmem:s31+$0x120]  }
0xe9: {  	v27 =	vld [tilespmem:s31+$0x130]  }
0xea: {  	v28 =	vld [tilespmem:s31+$0x140]  }
0xeb: {  	v29 =	vld [tilespmem:s31+$0x150]  }
0xec: {  	v30 =	vld [tilespmem:s31+$0x160]  }
0xed: {  	v31 =	vld [tilespmem:s31+$0xFFFFFE00]  }
0xee: {  	v0 =	vld.idx.msk [tilespmem:v0+s4+$0x0], $0xffff  }
0xef: {  	v1 =	vld.idx.msk [tilespmem:v1+s4+$0x0], $0xffff  }
0xf0: {  	v2 =	vld.idx.msk [tilespmem:v2+s4+$0x0], $0xffff  }
0xf1: {  	v3 =	vld.idx.msk [tilespmem:v3+s4+$0x0], $0xffff  }
0xf2: {  	v4 =	vld.idx.msk [tilespmem:v4+s4+$0x0], $0xffff  }
0xf3: {  	s24 =	simm.s32 $0x1A980;
	v5 =	vld.idx.msk [tilespmem:v5+s4+$0x0], $0xffff  }
0xf4: {  	[tilespmem:s24+$0x170] =	vst v0;
	v0 =	vld.idx.msk [tilespmem:v6+s4+$0x0], $0xffff  }
0xf5: {  	[tilespmem:s24+$0xFFFFFE10] =	vst v1;
	v1 =	vld.idx.msk [tilespmem:v7+s4+$0x0], $0xffff  }
0xf6: {  	v6 =	vld.idx.msk [tilespmem:v31+s4+$0x0], $0xffff;
	[tilespmem:s24+$0xFFFFFE20] =	vst v2  }
0xf7: {  	[tilespmem:s24+$0xFFFFFE30] =	vst v3;
	v2 =	vld.idx.msk [tilespmem:v8+s4+$0x0], $0xffff  }
0xf8: {  	[tilespmem:s24+$0xFFFFFE40] =	vst v4;
	v3 =	vld.idx.msk [tilespmem:v9+s4+$0x0], $0xffff  }
0xf9: {  	[tilespmem:s24+$0xFFFFFE50] =	vst v5;
	v4 =	vld.idx.msk [tilespmem:v10+s4+$0x0], $0xffff  }
0xfa: {  	v5 =	vld.idx.msk [tilespmem:v13+s4+$0x0], $0xffff;
	[tilespmem:s24+$0xFFFFFE60] =	vst v0  }
0xfb: {  	v7 =	vld.idx.msk [tilespmem:v24+s4+$0x0], $0xffff;
	[tilespmem:s24+$0xFFFFFE70] =	vst v1  }
0xfc: {  	v0 =	vld.idx.msk [tilespmem:v11+s4+$0x0], $0xffff;
	[tilespmem:s24+$0xFFFFFE00] =	vst v6  }
0xfd: {  	v1 =	vld.idx.msk [tilespmem:v12+s4+$0x0], $0xffff;
	[tilespmem:s24+$0xFFFFFF00] =	vst v2  }
0xfe: {  	v2 =	vld.idx.msk [tilespmem:v14+s4+$0x0], $0xffff;
	[tilespmem:s24+$0xFFFFFF10] =	vst v3  }
0xff: {  	v3 =	vld.idx.msk [tilespmem:v15+s4+$0x0], $0xffff;
	[tilespmem:s24+$0xFFFFFF20] =	vst v4  }
0x100: {  	v4 =	vld.idx.msk [tilespmem:v16+s4+$0x0], $0xffff;
	[tilespmem:s24+$0xFFFFFF50] =	vst v5  }
0x101: {  	v5 =	vld.idx.msk [tilespmem:v19+s4+$0x0], $0xffff;
	[tilespmem:s24+$0x100] =	vst v7  }
0x102: {  	v6 =	vld.idx.msk [tilespmem:v23+s4+$0x0], $0xffff;
	[tilespmem:s24+$0xFFFFFF30] =	vst v0  }
0x103: {  	v0 =	vld.idx.msk [tilespmem:v17+s4+$0x0], $0xffff;
	[tilespmem:s24+$0xFFFFFF40] =	vst v1  }
0x104: {  	v1 =	vld.idx.msk [tilespmem:v18+s4+$0x0], $0xffff;
	[tilespmem:s24+$0xFFFFFF60] =	vst v2  }
0x105: {  	v2 =	vld.idx.msk [tilespmem:v20+s4+$0x0], $0xffff;
	[tilespmem:s24+$0xFFFFFF70] =	vst v3  }
0x106: {  	v3 =	vld.idx.msk [tilespmem:v21+s4+$0x0], $0xffff;
	[tilespmem:s24+$0x0] =	vst v4  }
0x107: {  	v4 =	vld.idx.msk [tilespmem:v22+s4+$0x0], $0xffff;
	[tilespmem:s24+$0x30] =	vst v5  }
0x108: {  	[tilespmem:s24+$0x70] =	vst v6;
	v5 =	vld.idx.msk [tilespmem:v30+s4+$0x0], $0xffff  }
0x109: {  	[tilespmem:s24+$0x10] =	vst v0;
	v0 =	vld.idx.msk [tilespmem:v25+s4+$0x0], $0xffff  }
0x10a: {  	[tilespmem:s24+$0x20] =	vst v1;
	v1 =	vld.idx.msk [tilespmem:v26+s4+$0x0], $0xffff  }
0x10b: {  	[tilespmem:s24+$0x40] =	vst v2;
	v2 =	vld.idx.msk [tilespmem:v27+s4+$0x0], $0xffff  }
0x10c: {  	[tilespmem:s24+$0x50] =	vst v3;
	v3 =	vld.idx.msk [tilespmem:v28+s4+$0x0], $0xffff  }
0x10d: {  	s25 =	simm.s32 $0x0;
	s26 =	simm.s32 $0x18D80;
	[tilespmem:s24+$0x60] =	vst v4;
	v4 =	vld.idx.msk [tilespmem:v29+s4+$0x0], $0xffff  }
.LBB2_15:
0x10e: {  	v6 =	vld [tilespmem:s26+$0x170];
	s25 =	sadd.s32 $0x20, s25;
	[tilespmem:s24+$0x110] =	vst v0  }
0x10f: {  	v0 =	vld [tilespmem:s26+$0xFFFFFE10];
	p0 =	slt.u32 s25, $0xE0;
	[tilespmem:s24+$0x120] =	vst v1  }
0x110: {  	v1 =	vld [tilespmem:s26+$0xFFFFFE20];
	[tilespmem:s24+$0x130] =	vst v2  }
0x111: {  	v2 =	vld [tilespmem:s26+$0xFFFFFE30];
	[tilespmem:s24+$0x140] =	vst v3  }
0x112: {  	v3 =	vld [tilespmem:s26+$0xFFFFFE40];
	[tilespmem:s24+$0x150] =	vst v4  }
0x113: {  	v4 =	vld [tilespmem:s26+$0xFFFFFE50];
	[tilespmem:s24+$0x160] =	vst v5  }
0x114: {  	v5 =	vld [tilespmem:s26+$0xFFFFFE60]  }
0x115: {  	v7 =	vld [tilespmem:s26+$0xFFFFFE70]  }
0x116: {  	v6 =	vld.idx.msk [tilespmem:v6+s4+$0x0], $0xffff  }
0x117: {  	v8 =	vld [tilespmem:s26+$0xFFFFFF00]  }
0x118: {  	v9 =	vld [tilespmem:s26+$0xFFFFFF10]  }
0x119: {  	v10 =	vld [tilespmem:s26+$0xFFFFFF20]  }
0x11a: {  	v11 =	vld [tilespmem:s26+$0xFFFFFF30]  }
0x11b: {  	s24 =	sadd.s32 $0x400, s24;
	v12 =	vld [tilespmem:s26+$0xFFFFFF40]  }
0x11c: {  	v13 =	vld [tilespmem:s26+$0xFFFFFF50];
	[tilespmem:s24+$0x170] =	vst v6  }
0x11d: {  	v6 =	vld [tilespmem:s26+$0xFFFFFF60]  }
0x11e: {  	v14 =	vld [tilespmem:s26+$0xFFFFFF70]  }
0x11f: {  	v15 =	vld [tilespmem:s26+$0x0]  }
0x120: {  	v16 =	vld [tilespmem:s26+$0x10]  }
0x121: {  	v17 =	vld [tilespmem:s26+$0x20]  }
0x122: {  	v18 =	vld [tilespmem:s26+$0x30]  }
0x123: {  	v19 =	vld [tilespmem:s26+$0x40]  }
0x124: {  	v20 =	vld [tilespmem:s26+$0x50]  }
0x125: {  	v21 =	vld [tilespmem:s26+$0x60]  }
0x126: {  	v22 =	vld [tilespmem:s26+$0x70]  }
0x127: {  	v23 =	vld [tilespmem:s26+$0x100]  }
0x128: {  	v24 =	vld [tilespmem:s26+$0x110]  }
0x129: {  	v25 =	vld [tilespmem:s26+$0x120]  }
0x12a: {  	v26 =	vld [tilespmem:s26+$0x130]  }
0x12b: {  	v27 =	vld [tilespmem:s26+$0x140]  }
0x12c: {  	v28 =	vld [tilespmem:s26+$0x150]  }
0x12d: {  	v29 =	vld [tilespmem:s26+$0x160]  }
0x12e: {  	v30 =	vld [tilespmem:s26+$0xFFFFFE00]  }
0x12f: {  	v0 =	vld.idx.msk [tilespmem:v0+s4+$0x0], $0xffff  }
0x130: {  	v1 =	vld.idx.msk [tilespmem:v1+s4+$0x0], $0xffff  }
0x131: {  	v2 =	vld.idx.msk [tilespmem:v2+s4+$0x0], $0xffff  }
0x132: {  	v3 =	vld.idx.msk [tilespmem:v3+s4+$0x0], $0xffff  }
0x133: {  	v4 =	vld.idx.msk [tilespmem:v4+s4+$0x0], $0xffff  }
0x134: {  	v5 =	vld.idx.msk [tilespmem:v5+s4+$0x0], $0xffff  }
0x135: {  	[tilespmem:s24+$0xFFFFFE10] =	vst v0;
	v0 =	vld.idx.msk [tilespmem:v7+s4+$0x0], $0xffff  }
0x136: {  	v7 =	vld.idx.msk [tilespmem:v30+s4+$0x0], $0xffff;
	[tilespmem:s24+$0xFFFFFE20] =	vst v1  }
0x137: {  	[tilespmem:s24+$0xFFFFFE30] =	vst v2;
	v1 =	vld.idx.msk [tilespmem:v8+s4+$0x0], $0xffff  }
0x138: {  	[tilespmem:s24+$0xFFFFFE40] =	vst v3;
	v2 =	vld.idx.msk [tilespmem:v9+s4+$0x0], $0xffff  }
0x139: {  	[tilespmem:s24+$0xFFFFFE50] =	vst v4;
	v3 =	vld.idx.msk [tilespmem:v10+s4+$0x0], $0xffff  }
0x13a: {  	[tilespmem:s24+$0xFFFFFE60] =	vst v5;
	v4 =	vld.idx.msk [tilespmem:v11+s4+$0x0], $0xffff  }
0x13b: {  	[tilespmem:s24+$0xFFFFFE70] =	vst v0;
	v0 =	vld.idx.msk [tilespmem:v12+s4+$0x0], $0xffff  }
0x13c: {  	[tilespmem:s24+$0xFFFFFE00] =	vst v7;
	v5 =	vld.idx.msk [tilespmem:v13+s4+$0x0], $0xffff  }
0x13d: {  	[tilespmem:s24+$0xFFFFFF00] =	vst v1;
	v1 =	vld.idx.msk [tilespmem:v6+s4+$0x0], $0xffff  }
0x13e: {  	[tilespmem:s24+$0xFFFFFF10] =	vst v2;
	v2 =	vld.idx.msk [tilespmem:v14+s4+$0x0], $0xffff  }
0x13f: {  	[tilespmem:s24+$0xFFFFFF20] =	vst v3;
	v3 =	vld.idx.msk [tilespmem:v15+s4+$0x0], $0xffff  }
0x140: {  	[tilespmem:s24+$0xFFFFFF30] =	vst v4;
	v4 =	vld.idx.msk [tilespmem:v16+s4+$0x0], $0xffff  }
0x141: {  	[tilespmem:s24+$0xFFFFFF40] =	vst v0;
	v0 =	vld.idx.msk [tilespmem:v17+s4+$0x0], $0xffff  }
0x142: {  	[tilespmem:s24+$0xFFFFFF50] =	vst v5;
	v5 =	vld.idx.msk [tilespmem:v18+s4+$0x0], $0xffff  }
0x143: {  	[tilespmem:s24+$0xFFFFFF60] =	vst v1;
	v1 =	vld.idx.msk [tilespmem:v19+s4+$0x0], $0xffff  }
0x144: {  	[tilespmem:s24+$0xFFFFFF70] =	vst v2;
	v2 =	vld.idx.msk [tilespmem:v20+s4+$0x0], $0xffff  }
0x145: {  	[tilespmem:s24+$0x0] =	vst v3;
	v3 =	vld.idx.msk [tilespmem:v21+s4+$0x0], $0xffff  }
0x146: {  	[tilespmem:s24+$0x10] =	vst v4;
	v4 =	vld.idx.msk [tilespmem:v22+s4+$0x0], $0xffff  }
0x147: {  	[tilespmem:s24+$0x20] =	vst v0;
	v6 =	vld.idx.msk [tilespmem:v23+s4+$0x0], $0xffff  }
0x148: {  	[tilespmem:s24+$0x30] =	vst v5;
	v0 =	vld.idx.msk [tilespmem:v24+s4+$0x0], $0xffff  }
.Ltmp6:
0x149: {  	[tilespmem:s24+$0x40] =	vst v1;
	v1 =	vld.idx.msk [tilespmem:v25+s4+$0x0], $0xffff;
	(pc) =	sbr.rel @p0 .LBB2_15-.Ltmp6, $4  }
0x14a: {  	[tilespmem:s24+$0x50] =	vst v2;
	v2 =	vld.idx.msk [tilespmem:v26+s4+$0x0], $0xffff  }
0x14b: {  	[tilespmem:s24+$0x60] =	vst v3;
	v3 =	vld.idx.msk [tilespmem:v27+s4+$0x0], $0xffff  }
0x14c: {  	[tilespmem:s24+$0x70] =	vst v4;
	v4 =	vld.idx.msk [tilespmem:v28+s4+$0x0], $0xffff  }
0x14d: {  	s26 =	sadd.s32 $0x400, s26;
	[tilespmem:s24+$0x100] =	vst v6;
	v5 =	vld.idx.msk [tilespmem:v29+s4+$0x0], $0xffff  }
0x14e: {  	[tilespmem:s24+$0x110] =	vst v0  }
.Ltmp7:
0x14f: {  	[tilespmem:s24+$0x120] =	vst v1;
	(pc) =	sbr.rel @p1 .LBB2_20-.Ltmp7, $4  }
0x150: {  	[tilespmem:s24+$0x130] =	vst v2  }
0x151: {  	[tilespmem:s24+$0x140] =	vst v3  }
0x152: {  	[tilespmem:s24+$0x150] =	vst v4  }
0x153: {  	[tilespmem:s24+$0x160] =	vst v5  }
0x154: {  	s22 =	sadd.s32 $0x3, s22  }
0x155: {  	s24 =	sshll.u32 s22, $0x4  }
0x156: {  	s22 =	sshll.u32 s22, $0x9;
	s24 =	sand.u32 $0x70, s24  }
0x157: {  	s22 =	sand.u32 $0xF000, s22;
	s24 =	sadd.s32 s1, s24  }
0x158: {  	s25 =	simm.s32 $0x80;
	s22 =	sadd.s32 s22, s24  }
0x159: {  	s26 =	simm.s32 $0x18880;
	s24 =	simm.s32 $0x18780;
	s28 =	sadd.s32 $0x0, s22  }
.LBB2_18:
0x15a: {  	[tilespmem:s24], [sflag:$0x3] =	stream.linear.gather [hbm4b:s28+s4], $0x80, $0x38;
	[tilespmem:$0x1C700] =	vst v63  }
0x15b: {  	s28 =	smov.u32 s25;
	s24 =	smov.u32 s26;
	p0 =	sne.s32 s25, $0xF80  }
.Ltmp8:
0x15c: {  	s25 =	sadd.s32 $0x80, s25;
	(pc) =	sbr.rel @p0 .LBB2_18-.Ltmp8, $2  }
0x15d: {  	_ =	sdelay $0x2  }
0x15e: {  	s26 =	sadd.s32 $0x100, s26;
	s28 =	sadd.s32 s28, s22  }
0x15f: {  	[tilespmem:s24], [sflag:$0x3] =	stream.linear.gather [hbm4b:s28+s4], $0x80, $0x38;
	[tilespmem:$0x1C700] =	vst v63  }
.LBB2_20:
0x160: {  	s22 =	sadd.s32 s23, s10;
	s23 =	simm.s32 $0x1A780  }
0x161: {  	s24 =	simm.s32 $0x80;
	s25 =	simm.s32 $0x1A880;
	s26 =	sadd.s32 $0x0, s22  }
.LBB2_21:
0x162: {  	[hbm4b:s26+s4] =	stream.linear.scatter [tilespmem:s23], [sflag:$0x5], $0x80, $0x38;
	[tilespmem:$0x1C700] =	vst v63  }
0x163: {  	s26 =	smov.u32 s24;
	s23 =	smov.u32 s25;
	p0 =	sne.s32 s24, $0xF80  }
.Ltmp9:
0x164: {  	s24 =	sadd.s32 $0x80, s24;
	(pc) =	sbr.rel @p0 .LBB2_21-.Ltmp9, $2  }
0x165: {  	_ =	sdelay $0x2  }
0x166: {  	s25 =	sadd.s32 $0x100, s25;
	s26 =	sadd.s32 s26, s22  }
0x167: {  	s21 =	sadd.s32 $0x1, s21  }
0x168: {  	p0 =	sne.s32 s21, $0x19  }
.Ltmp10:
0x169: {  	_ = 	snop;
	(pc) =	sbr.rel @p0 .LBB2_6-.Ltmp10, $2  }
0x16a: {  	_ =	sdelay $0x2  }
0x16b: {  	[hbm4b:s26+s4] =	stream.linear.scatter [tilespmem:s23], [sflag:$0x5], $0x80, $0x38;
	[tilespmem:$0x1C700] =	vst v63  }
0x16c: {  	s21 =	simm.s32 $0x0;
	s22 =	simm.s32 $0x18700;
	s23 =	simm.s32 $0x0  }
0x16d: {  	[tilespmem:s21], [sflag:$0x1] =	stream.strided.gather [hbm4b:s11+s13], $0x18700, s14, s13, $0x38;
	[tilespmem:$0x1C700] =	vst v63  }
.LBB2_24:
0x16e: {  	p0 =	sne.s32 s23, $0xF80  }
.Ltmp11:
0x16f: {  	_ = 	snop;
	(pc) =	sbr.rel @p0 .LBB2_24-.Ltmp11, $4  }
0x170: {  	_ = 	snop  }
0x171: {  	s24 =	sadd.s32 s23, s1  }
0x172: {  	[tilespmem:s22], [sflag:$0x2] =	stream.linear.gather [hbm4b:s24+s21], $0x80, $0x38;
	[tilespmem:$0x1C700] =	vst v63  }
0x173: {  	s23 =	sadd.s32 $0x80, s23;
	s22 =	sadd.s32 $0x100, s22  }
0x174: {  	s21 =	simm.s32 $0x18780  }
0x175: {  	s22 =	simm.s32 $0x80;
	s24 =	sadd.s32 $0x0, s8;
	s23 =	simm.s32 $0x18880  }
.LBB2_26:
0x176: {  	[tilespmem:s21], [sflag:$0x3] =	stream.linear.gather [hbm4b:s24+s4], $0x80, $0x38;
	[tilespmem:$0x1C700] =	vst v63  }
0x177: {  	s24 =	smov.u32 s22;
	s21 =	smov.u32 s23;
	p0 =	sne.s32 s22, $0xF80  }
.Ltmp12:
0x178: {  	s22 =	sadd.s32 $0x80, s22;
	(pc) =	sbr.rel @p0 .LBB2_26-.Ltmp12, $2  }
0x179: {  	_ =	sdelay $0x2  }
0x17a: {  	s23 =	sadd.s32 $0x100, s23;
	s24 =	sadd.s32 s24, s8  }
0x17b: {  	[tilespmem:s21], [sflag:$0x3] =	stream.linear.gather [hbm4b:s24+s4], $0x80, $0x38;
	[tilespmem:$0x1C700] =	vst v63  }
0x17c: {  	_ =	swait.ge [sflag:s18], $0x1000  }
0x17d: {  	[sflag:s18] =	ssyncset.done $0x0  }
0x17e: {  	[sflag:s18] =	ssyncadd.s32 $0xFFFFF000  }
0x17f: {  	_ =	swait.ge [sflag:s19], $0x1000  }
0x180: {  	[sflag:s19] =	ssyncset.done $0x0  }
0x181: {  	[sflag:s19] =	ssyncadd.s32 $0xFFFFF000  }
0x182: {  	_ =	swait.ge [sflag:s15], $0x18700  }
0x183: {  	[sflag:s15] =	ssyncset.done $0x0  }
0x184: {  	s21 =	simm.s32 $0x0;
	[sflag:s15] =	ssyncadd.s32 $0xFFFE7900  }
.LBB2_28:
0x185: {  	_ =	swait.ge [sflag:s16], $0x1000  }
0x186: {  	p0 =	seq.s32 s21, $0x0;
	[sflag:s16] =	ssyncset.done $0x0  }
0x187: {  	s22 =	simm.s32 @!p0 $0x4;
	[sflag:s16] =	ssyncadd.s32 $0xFFFFF000  }
0x188: {  	_ =	swait.ge @!p0 [sflag:s22], $0x1000  }
0x189: {  	[sflag:s22] =	ssyncset.done @!p0 $0x0  }
0x18a: {  	s31 =	simm.s32 $0x18900;
	[sflag:s22] =	ssyncadd.s32 @!p0 $0xFFFFF000  }
0x18b: {  	v0 =	vld [tilespmem:s31+$0x170]  }
0x18c: {  	v1 =	vld [tilespmem:s31+$0xFFFFFE10]  }
0x18d: {  	v2 =	vld [tilespmem:s31+$0xFFFFFE20]  }
0x18e: {  	v3 =	vld [tilespmem:s31+$0xFFFFFE30]  }
0x18f: {  	v4 =	vld [tilespmem:s31+$0xFFFFFE40]  }
0x190: {  	v5 =	vld [tilespmem:s31+$0xFFFFFE50]  }
0x191: {  	v6 =	vld [tilespmem:s31+$0xFFFFFE60]  }
0x192: {  	v7 =	vld [tilespmem:s31+$0xFFFFFE70]  }
0x193: {  	v8 =	vld [tilespmem:s31+$0xFFFFFF00]  }
0x194: {  	v9 =	vld [tilespmem:s31+$0xFFFFFF10]  }
0x195: {  	v10 =	vld [tilespmem:s31+$0xFFFFFF20]  }
0x196: {  	v11 =	vld [tilespmem:s31+$0xFFFFFF30]  }
0x197: {  	v12 =	vld [tilespmem:s31+$0xFFFFFF40]  }
0x198: {  	v13 =	vld [tilespmem:s31+$0xFFFFFF50]  }
0x199: {  	v14 =	vld [tilespmem:s31+$0xFFFFFF60]  }
0x19a: {  	v15 =	vld [tilespmem:s31+$0xFFFFFF70]  }
0x19b: {  	v16 =	vld [tilespmem:s31+$0x0]  }
0x19c: {  	v17 =	vld [tilespmem:s31+$0x10]  }
0x19d: {  	v18 =	vld [tilespmem:s31+$0x20]  }
0x19e: {  	v19 =	vld [tilespmem:s31+$0x30]  }
0x19f: {  	v20 =	vld [tilespmem:s31+$0x40]  }
0x1a0: {  	v21 =	vld [tilespmem:s31+$0x50]  }
0x1a1: {  	v22 =	vld [tilespmem:s31+$0x60]  }
0x1a2: {  	v23 =	vld [tilespmem:s31+$0x70]  }
0x1a3: {  	v24 =	vld [tilespmem:s31+$0x100]  }
0x1a4: {  	v25 =	vld [tilespmem:s31+$0x110]  }
0x1a5: {  	v26 =	vld [tilespmem:s31+$0x120]  }
0x1a6: {  	v27 =	vld [tilespmem:s31+$0x130]  }
0x1a7: {  	v28 =	vld [tilespmem:s31+$0x140]  }
0x1a8: {  	v29 =	vld [tilespmem:s31+$0x150]  }
0x1a9: {  	v30 =	vld [tilespmem:s31+$0x160]  }
0x1aa: {  	v31 =	vld [tilespmem:s31+$0xFFFFFE00]  }
0x1ab: {  	v0 =	vld.idx.msk [tilespmem:v0+s4+$0x0], $0xffff  }
0x1ac: {  	v1 =	vld.idx.msk [tilespmem:v1+s4+$0x0], $0xffff  }
0x1ad: {  	v2 =	vld.idx.msk [tilespmem:v2+s4+$0x0], $0xffff  }
0x1ae: {  	v3 =	vld.idx.msk [tilespmem:v3+s4+$0x0], $0xffff  }
0x1af: {  	v4 =	vld.idx.msk [tilespmem:v4+s4+$0x0], $0xffff  }
0x1b0: {  	s23 =	simm.s32 $0x1A900;
	v5 =	vld.idx.msk [tilespmem:v5+s4+$0x0], $0xffff  }
0x1b1: {  	[tilespmem:s23+$0x170] =	vst v0;
	v0 =	vld.idx.msk [tilespmem:v6+s4+$0x0], $0xffff  }
0x1b2: {  	[tilespmem:s23+$0xFFFFFE10] =	vst v1;
	v1 =	vld.idx.msk [tilespmem:v7+s4+$0x0], $0xffff  }
0x1b3: {  	v6 =	vld.idx.msk [tilespmem:v31+s4+$0x0], $0xffff;
	[tilespmem:s23+$0xFFFFFE20] =	vst v2  }
0x1b4: {  	[tilespmem:s23+$0xFFFFFE30] =	vst v3;
	v2 =	vld.idx.msk [tilespmem:v8+s4+$0x0], $0xffff  }
0x1b5: {  	[tilespmem:s23+$0xFFFFFE40] =	vst v4;
	v3 =	vld.idx.msk [tilespmem:v9+s4+$0x0], $0xffff  }
0x1b6: {  	[tilespmem:s23+$0xFFFFFE50] =	vst v5;
	v4 =	vld.idx.msk [tilespmem:v10+s4+$0x0], $0xffff  }
0x1b7: {  	v5 =	vld.idx.msk [tilespmem:v13+s4+$0x0], $0xffff;
	[tilespmem:s23+$0xFFFFFE60] =	vst v0  }
0x1b8: {  	v7 =	vld.idx.msk [tilespmem:v24+s4+$0x0], $0xffff;
	[tilespmem:s23+$0xFFFFFE70] =	vst v1  }
0x1b9: {  	v0 =	vld.idx.msk [tilespmem:v11+s4+$0x0], $0xffff;
	[tilespmem:s23+$0xFFFFFE00] =	vst v6  }
0x1ba: {  	v1 =	vld.idx.msk [tilespmem:v12+s4+$0x0], $0xffff;
	[tilespmem:s23+$0xFFFFFF00] =	vst v2  }
0x1bb: {  	v2 =	vld.idx.msk [tilespmem:v14+s4+$0x0], $0xffff;
	[tilespmem:s23+$0xFFFFFF10] =	vst v3  }
0x1bc: {  	v3 =	vld.idx.msk [tilespmem:v15+s4+$0x0], $0xffff;
	[tilespmem:s23+$0xFFFFFF20] =	vst v4  }
0x1bd: {  	v4 =	vld.idx.msk [tilespmem:v16+s4+$0x0], $0xffff;
	[tilespmem:s23+$0xFFFFFF50] =	vst v5  }
0x1be: {  	v5 =	vld.idx.msk [tilespmem:v19+s4+$0x0], $0xffff;
	[tilespmem:s23+$0x100] =	vst v7  }
0x1bf: {  	v6 =	vld.idx.msk [tilespmem:v23+s4+$0x0], $0xffff;
	[tilespmem:s23+$0xFFFFFF30] =	vst v0  }
0x1c0: {  	v0 =	vld.idx.msk [tilespmem:v17+s4+$0x0], $0xffff;
	[tilespmem:s23+$0xFFFFFF40] =	vst v1  }
0x1c1: {  	v1 =	vld.idx.msk [tilespmem:v18+s4+$0x0], $0xffff;
	[tilespmem:s23+$0xFFFFFF60] =	vst v2  }
0x1c2: {  	v2 =	vld.idx.msk [tilespmem:v20+s4+$0x0], $0xffff;
	[tilespmem:s23+$0xFFFFFF70] =	vst v3  }
0x1c3: {  	v3 =	vld.idx.msk [tilespmem:v21+s4+$0x0], $0xffff;
	[tilespmem:s23+$0x0] =	vst v4  }
0x1c4: {  	v4 =	vld.idx.msk [tilespmem:v22+s4+$0x0], $0xffff;
	[tilespmem:s23+$0x30] =	vst v5  }
0x1c5: {  	[tilespmem:s23+$0x70] =	vst v6;
	v5 =	vld.idx.msk [tilespmem:v30+s4+$0x0], $0xffff  }
0x1c6: {  	[tilespmem:s23+$0x10] =	vst v0;
	v0 =	vld.idx.msk [tilespmem:v25+s4+$0x0], $0xffff  }
0x1c7: {  	[tilespmem:s23+$0x20] =	vst v1;
	v1 =	vld.idx.msk [tilespmem:v26+s4+$0x0], $0xffff  }
0x1c8: {  	[tilespmem:s23+$0x40] =	vst v2;
	v2 =	vld.idx.msk [tilespmem:v27+s4+$0x0], $0xffff  }
0x1c9: {  	[tilespmem:s23+$0x50] =	vst v3;
	v3 =	vld.idx.msk [tilespmem:v28+s4+$0x0], $0xffff  }
0x1ca: {  	s24 =	simm.s32 $0x0;
	s25 =	simm.s32 $0x18D00;
	s22 =	sshll.u32 s21, $0x1;
	[tilespmem:s23+$0x60] =	vst v4;
	v4 =	vld.idx.msk [tilespmem:v29+s4+$0x0], $0xffff  }
.LBB2_29:
0x1cb: {  	v6 =	vld [tilespmem:s25+$0x170];
	s24 =	sadd.s32 $0x20, s24;
	[tilespmem:s23+$0x110] =	vst v0  }
0x1cc: {  	v0 =	vld [tilespmem:s25+$0xFFFFFE10];
	p1 =	slt.u32 s24, $0xE0;
	[tilespmem:s23+$0x120] =	vst v1  }
0x1cd: {  	v1 =	vld [tilespmem:s25+$0xFFFFFE20];
	[tilespmem:s23+$0x130] =	vst v2  }
0x1ce: {  	v2 =	vld [tilespmem:s25+$0xFFFFFE30];
	[tilespmem:s23+$0x140] =	vst v3  }
0x1cf: {  	v3 =	vld [tilespmem:s25+$0xFFFFFE40];
	[tilespmem:s23+$0x150] =	vst v4  }
0x1d0: {  	v4 =	vld [tilespmem:s25+$0xFFFFFE50];
	[tilespmem:s23+$0x160] =	vst v5  }
0x1d1: {  	v5 =	vld [tilespmem:s25+$0xFFFFFE60]  }
0x1d2: {  	v7 =	vld [tilespmem:s25+$0xFFFFFE70]  }
0x1d3: {  	v6 =	vld.idx.msk [tilespmem:v6+s4+$0x0], $0xffff  }
0x1d4: {  	v8 =	vld [tilespmem:s25+$0xFFFFFF00]  }
0x1d5: {  	v9 =	vld [tilespmem:s25+$0xFFFFFF10]  }
0x1d6: {  	v10 =	vld [tilespmem:s25+$0xFFFFFF20]  }
0x1d7: {  	v11 =	vld [tilespmem:s25+$0xFFFFFF30]  }
0x1d8: {  	s23 =	sadd.s32 $0x400, s23;
	v12 =	vld [tilespmem:s25+$0xFFFFFF40]  }
0x1d9: {  	v13 =	vld [tilespmem:s25+$0xFFFFFF50];
	[tilespmem:s23+$0x170] =	vst v6  }
0x1da: {  	v6 =	vld [tilespmem:s25+$0xFFFFFF60]  }
0x1db: {  	v14 =	vld [tilespmem:s25+$0xFFFFFF70]  }
0x1dc: {  	v15 =	vld [tilespmem:s25+$0x0]  }
0x1dd: {  	v16 =	vld [tilespmem:s25+$0x10]  }
0x1de: {  	v17 =	vld [tilespmem:s25+$0x20]  }
0x1df: {  	v18 =	vld [tilespmem:s25+$0x30]  }
0x1e0: {  	v19 =	vld [tilespmem:s25+$0x40]  }
0x1e1: {  	v20 =	vld [tilespmem:s25+$0x50]  }
0x1e2: {  	v21 =	vld [tilespmem:s25+$0x60]  }
0x1e3: {  	v22 =	vld [tilespmem:s25+$0x70]  }
0x1e4: {  	v23 =	vld [tilespmem:s25+$0x100]  }
0x1e5: {  	v24 =	vld [tilespmem:s25+$0x110]  }
0x1e6: {  	v25 =	vld [tilespmem:s25+$0x120]  }
0x1e7: {  	v26 =	vld [tilespmem:s25+$0x130]  }
0x1e8: {  	v27 =	vld [tilespmem:s25+$0x140]  }
0x1e9: {  	v28 =	vld [tilespmem:s25+$0x150]  }
0x1ea: {  	v29 =	vld [tilespmem:s25+$0x160]  }
0x1eb: {  	v30 =	vld [tilespmem:s25+$0xFFFFFE00]  }
0x1ec: {  	v0 =	vld.idx.msk [tilespmem:v0+s4+$0x0], $0xffff  }
0x1ed: {  	v1 =	vld.idx.msk [tilespmem:v1+s4+$0x0], $0xffff  }
0x1ee: {  	v2 =	vld.idx.msk [tilespmem:v2+s4+$0x0], $0xffff  }
0x1ef: {  	v3 =	vld.idx.msk [tilespmem:v3+s4+$0x0], $0xffff  }
0x1f0: {  	v4 =	vld.idx.msk [tilespmem:v4+s4+$0x0], $0xffff  }
0x1f1: {  	v5 =	vld.idx.msk [tilespmem:v5+s4+$0x0], $0xffff  }
0x1f2: {  	[tilespmem:s23+$0xFFFFFE10] =	vst v0;
	v0 =	vld.idx.msk [tilespmem:v7+s4+$0x0], $0xffff  }
0x1f3: {  	v7 =	vld.idx.msk [tilespmem:v30+s4+$0x0], $0xffff;
	[tilespmem:s23+$0xFFFFFE20] =	vst v1  }
0x1f4: {  	[tilespmem:s23+$0xFFFFFE30] =	vst v2;
	v1 =	vld.idx.msk [tilespmem:v8+s4+$0x0], $0xffff  }
0x1f5: {  	[tilespmem:s23+$0xFFFFFE40] =	vst v3;
	v2 =	vld.idx.msk [tilespmem:v9+s4+$0x0], $0xffff  }
0x1f6: {  	[tilespmem:s23+$0xFFFFFE50] =	vst v4;
	v3 =	vld.idx.msk [tilespmem:v10+s4+$0x0], $0xffff  }
0x1f7: {  	[tilespmem:s23+$0xFFFFFE60] =	vst v5;
	v4 =	vld.idx.msk [tilespmem:v11+s4+$0x0], $0xffff  }
0x1f8: {  	[tilespmem:s23+$0xFFFFFE70] =	vst v0;
	v0 =	vld.idx.msk [tilespmem:v12+s4+$0x0], $0xffff  }
0x1f9: {  	[tilespmem:s23+$0xFFFFFE00] =	vst v7;
	v5 =	vld.idx.msk [tilespmem:v13+s4+$0x0], $0xffff  }
0x1fa: {  	[tilespmem:s23+$0xFFFFFF00] =	vst v1;
	v1 =	vld.idx.msk [tilespmem:v6+s4+$0x0], $0xffff  }
0x1fb: {  	[tilespmem:s23+$0xFFFFFF10] =	vst v2;
	v2 =	vld.idx.msk [tilespmem:v14+s4+$0x0], $0xffff  }
0x1fc: {  	[tilespmem:s23+$0xFFFFFF20] =	vst v3;
	v3 =	vld.idx.msk [tilespmem:v15+s4+$0x0], $0xffff  }
0x1fd: {  	[tilespmem:s23+$0xFFFFFF30] =	vst v4;
	v4 =	vld.idx.msk [tilespmem:v16+s4+$0x0], $0xffff  }
0x1fe: {  	[tilespmem:s23+$0xFFFFFF40] =	vst v0;
	v0 =	vld.idx.msk [tilespmem:v17+s4+$0x0], $0xffff  }
0x1ff: {  	[tilespmem:s23+$0xFFFFFF50] =	vst v5;
	v5 =	vld.idx.msk [tilespmem:v18+s4+$0x0], $0xffff  }
0x200: {  	[tilespmem:s23+$0xFFFFFF60] =	vst v1;
	v1 =	vld.idx.msk [tilespmem:v19+s4+$0x0], $0xffff  }
0x201: {  	[tilespmem:s23+$0xFFFFFF70] =	vst v2;
	v2 =	vld.idx.msk [tilespmem:v20+s4+$0x0], $0xffff  }
0x202: {  	[tilespmem:s23+$0x0] =	vst v3;
	v3 =	vld.idx.msk [tilespmem:v21+s4+$0x0], $0xffff  }
0x203: {  	[tilespmem:s23+$0x10] =	vst v4;
	v4 =	vld.idx.msk [tilespmem:v22+s4+$0x0], $0xffff  }
0x204: {  	[tilespmem:s23+$0x20] =	vst v0;
	v6 =	vld.idx.msk [tilespmem:v23+s4+$0x0], $0xffff  }
0x205: {  	[tilespmem:s23+$0x30] =	vst v5;
	v0 =	vld.idx.msk [tilespmem:v24+s4+$0x0], $0xffff  }
.Ltmp13:
0x206: {  	[tilespmem:s23+$0x40] =	vst v1;
	v1 =	vld.idx.msk [tilespmem:v25+s4+$0x0], $0xffff;
	(pc) =	sbr.rel @p1 .LBB2_29-.Ltmp13, $4  }
0x207: {  	[tilespmem:s23+$0x50] =	vst v2;
	v2 =	vld.idx.msk [tilespmem:v26+s4+$0x0], $0xffff  }
0x208: {  	[tilespmem:s23+$0x60] =	vst v3;
	v3 =	vld.idx.msk [tilespmem:v27+s4+$0x0], $0xffff  }
0x209: {  	[tilespmem:s23+$0x70] =	vst v4;
	v4 =	vld.idx.msk [tilespmem:v28+s4+$0x0], $0xffff  }
0x20a: {  	s25 =	sadd.s32 $0x400, s25;
	[tilespmem:s23+$0x100] =	vst v6;
	v5 =	vld.idx.msk [tilespmem:v29+s4+$0x0], $0xffff  }
0x20b: {  	[tilespmem:s23+$0x110] =	vst v0;
	p1 =	seq.s32 s21, $0x18  }
.Ltmp14:
0x20c: {  	[tilespmem:s23+$0x120] =	vst v1;
	(pc) =	sbr.rel @p1 .LBB2_34-.Ltmp14, $4  }
0x20d: {  	[tilespmem:s23+$0x130] =	vst v2  }
0x20e: {  	[tilespmem:s23+$0x140] =	vst v3  }
0x20f: {  	[tilespmem:s23+$0x150] =	vst v4  }
0x210: {  	[tilespmem:s23+$0x160] =	vst v5  }
0x211: {  	s23 =	sadd.s32 $0x2, s22  }
0x212: {  	s24 =	sshll.u32 s23, $0x4  }
0x213: {  	s23 =	sshll.u32 s23, $0x9;
	s24 =	sand.u32 $0x60, s24  }
0x214: {  	s23 =	sand.u32 $0xF000, s23;
	s24 =	sadd.s32 s1, s24  }
0x215: {  	s25 =	simm.s32 $0x80;
	s23 =	sadd.s32 s23, s24  }
0x216: {  	s26 =	simm.s32 $0x18800;
	s24 =	simm.s32 $0x18700;
	s28 =	sadd.s32 $0x0, s23  }
.LBB2_32:
0x217: {  	[tilespmem:s24], [sflag:$0x2] =	stream.linear.gather [hbm4b:s28+s4], $0x80, $0x38;
	[tilespmem:$0x1C700] =	vst v63  }
0x218: {  	s28 =	smov.u32 s25;
	s24 =	smov.u32 s26;
	p2 =	sne.s32 s25, $0xF80  }
.Ltmp15:
0x219: {  	s25 =	sadd.s32 $0x80, s25;
	(pc) =	sbr.rel @p2 .LBB2_32-.Ltmp15, $2  }
0x21a: {  	_ =	sdelay $0x2  }
0x21b: {  	s26 =	sadd.s32 $0x100, s26;
	s28 =	sadd.s32 s28, s23  }
0x21c: {  	[tilespmem:s24], [sflag:$0x2] =	stream.linear.gather [hbm4b:s28+s4], $0x80, $0x38;
	[tilespmem:$0x1C700] =	vst v63  }
.LBB2_34:
0x21d: {  	s23 =	sshll.u32 s21, $0x13  }
0x21e: {  	s23 =	sor.u32 s23, s9  }
0x21f: {  	s23 =	sor.u32 s6, s23  }
0x220: {  	s23 =	sshrl.u32 s23, $0x3  }
0x221: {  	s25 =	simm.s32 $0x1A700;
	s24 =	sadd.s32 s2, s23  }
0x222: {  	s26 =	simm.s32 $0x80;
	s28 =	simm.s32 $0x1A800;
	s29 =	sadd.s32 $0x0, s24  }
.LBB2_35:
0x223: {  	[hbm4b:s29+s4] =	stream.linear.scatter [tilespmem:s25], [sflag:$0x4], $0x80, $0x38;
	[tilespmem:$0x1C700] =	vst v63  }
0x224: {  	s29 =	smov.u32 s26;
	s25 =	smov.u32 s28;
	p2 =	sne.s32 s26, $0xF80  }
.Ltmp16:
0x225: {  	s26 =	sadd.s32 $0x80, s26;
	(pc) =	sbr.rel @p2 .LBB2_35-.Ltmp16, $2  }
0x226: {  	_ =	sdelay $0x2  }
0x227: {  	s28 =	sadd.s32 $0x100, s28;
	s29 =	sadd.s32 s29, s24  }
0x228: {  	[hbm4b:s29+s4] =	stream.linear.scatter [tilespmem:s25], [sflag:$0x4], $0x80, $0x38;
	[tilespmem:$0x1C700] =	vst v63  }
0x229: {  	_ =	swait.ge [sflag:s17], $0x1000  }
0x22a: {  	[sflag:s17] =	ssyncset.done $0x0  }
0x22b: {  	s24 =	simm.s32 @!p0 $0x5;
	[sflag:s17] =	ssyncadd.s32 $0xFFFFF000  }
0x22c: {  	_ =	swait.ge @!p0 [sflag:s24], $0x1000  }
0x22d: {  	[sflag:s24] =	ssyncset.done @!p0 $0x0  }
0x22e: {  	s31 =	simm.s32 $0x18980;
	[sflag:s24] =	ssyncadd.s32 @!p0 $0xFFFFF000  }
0x22f: {  	v0 =	vld [tilespmem:s31+$0x170]  }
0x230: {  	v1 =	vld [tilespmem:s31+$0xFFFFFE10]  }
0x231: {  	v2 =	vld [tilespmem:s31+$0xFFFFFE20]  }
0x232: {  	v3 =	vld [tilespmem:s31+$0xFFFFFE30]  }
0x233: {  	v4 =	vld [tilespmem:s31+$0xFFFFFE40]  }
0x234: {  	v5 =	vld [tilespmem:s31+$0xFFFFFE50]  }
0x235: {  	v6 =	vld [tilespmem:s31+$0xFFFFFE60]  }
0x236: {  	v7 =	vld [tilespmem:s31+$0xFFFFFE70]  }
0x237: {  	v8 =	vld [tilespmem:s31+$0xFFFFFF00]  }
0x238: {  	v9 =	vld [tilespmem:s31+$0xFFFFFF10]  }
0x239: {  	v10 =	vld [tilespmem:s31+$0xFFFFFF20]  }
0x23a: {  	v11 =	vld [tilespmem:s31+$0xFFFFFF30]  }
0x23b: {  	v12 =	vld [tilespmem:s31+$0xFFFFFF40]  }
0x23c: {  	v13 =	vld [tilespmem:s31+$0xFFFFFF50]  }
0x23d: {  	v14 =	vld [tilespmem:s31+$0xFFFFFF60]  }
0x23e: {  	v15 =	vld [tilespmem:s31+$0xFFFFFF70]  }
0x23f: {  	v16 =	vld [tilespmem:s31+$0x0]  }
0x240: {  	v17 =	vld [tilespmem:s31+$0x10]  }
0x241: {  	v18 =	vld [tilespmem:s31+$0x20]  }
0x242: {  	v19 =	vld [tilespmem:s31+$0x30]  }
0x243: {  	v20 =	vld [tilespmem:s31+$0x40]  }
0x244: {  	v21 =	vld [tilespmem:s31+$0x50]  }
0x245: {  	v22 =	vld [tilespmem:s31+$0x60]  }
0x246: {  	v23 =	vld [tilespmem:s31+$0x70]  }
0x247: {  	v24 =	vld [tilespmem:s31+$0x100]  }
0x248: {  	v25 =	vld [tilespmem:s31+$0x110]  }
0x249: {  	v26 =	vld [tilespmem:s31+$0x120]  }
0x24a: {  	v27 =	vld [tilespmem:s31+$0x130]  }
0x24b: {  	v28 =	vld [tilespmem:s31+$0x140]  }
0x24c: {  	v29 =	vld [tilespmem:s31+$0x150]  }
0x24d: {  	v30 =	vld [tilespmem:s31+$0x160]  }
0x24e: {  	v31 =	vld [tilespmem:s31+$0xFFFFFE00]  }
0x24f: {  	v0 =	vld.idx.msk [tilespmem:v0+s4+$0x0], $0xffff  }
0x250: {  	v1 =	vld.idx.msk [tilespmem:v1+s4+$0x0], $0xffff  }
0x251: {  	v2 =	vld.idx.msk [tilespmem:v2+s4+$0x0], $0xffff  }
0x252: {  	v3 =	vld.idx.msk [tilespmem:v3+s4+$0x0], $0xffff  }
0x253: {  	v4 =	vld.idx.msk [tilespmem:v4+s4+$0x0], $0xffff  }
0x254: {  	s24 =	simm.s32 $0x1A980;
	v5 =	vld.idx.msk [tilespmem:v5+s4+$0x0], $0xffff  }
0x255: {  	[tilespmem:s24+$0x170] =	vst v0;
	v0 =	vld.idx.msk [tilespmem:v6+s4+$0x0], $0xffff  }
0x256: {  	[tilespmem:s24+$0xFFFFFE10] =	vst v1;
	v1 =	vld.idx.msk [tilespmem:v7+s4+$0x0], $0xffff  }
0x257: {  	v6 =	vld.idx.msk [tilespmem:v31+s4+$0x0], $0xffff;
	[tilespmem:s24+$0xFFFFFE20] =	vst v2  }
0x258: {  	[tilespmem:s24+$0xFFFFFE30] =	vst v3;
	v2 =	vld.idx.msk [tilespmem:v8+s4+$0x0], $0xffff  }
0x259: {  	[tilespmem:s24+$0xFFFFFE40] =	vst v4;
	v3 =	vld.idx.msk [tilespmem:v9+s4+$0x0], $0xffff  }
0x25a: {  	[tilespmem:s24+$0xFFFFFE50] =	vst v5;
	v4 =	vld.idx.msk [tilespmem:v10+s4+$0x0], $0xffff  }
0x25b: {  	v5 =	vld.idx.msk [tilespmem:v13+s4+$0x0], $0xffff;
	[tilespmem:s24+$0xFFFFFE60] =	vst v0  }
0x25c: {  	v7 =	vld.idx.msk [tilespmem:v24+s4+$0x0], $0xffff;
	[tilespmem:s24+$0xFFFFFE70] =	vst v1  }
0x25d: {  	v0 =	vld.idx.msk [tilespmem:v11+s4+$0x0], $0xffff;
	[tilespmem:s24+$0xFFFFFE00] =	vst v6  }
0x25e: {  	v1 =	vld.idx.msk [tilespmem:v12+s4+$0x0], $0xffff;
	[tilespmem:s24+$0xFFFFFF00] =	vst v2  }
0x25f: {  	v2 =	vld.idx.msk [tilespmem:v14+s4+$0x0], $0xffff;
	[tilespmem:s24+$0xFFFFFF10] =	vst v3  }
0x260: {  	v3 =	vld.idx.msk [tilespmem:v15+s4+$0x0], $0xffff;
	[tilespmem:s24+$0xFFFFFF20] =	vst v4  }
0x261: {  	v4 =	vld.idx.msk [tilespmem:v16+s4+$0x0], $0xffff;
	[tilespmem:s24+$0xFFFFFF50] =	vst v5  }
0x262: {  	v5 =	vld.idx.msk [tilespmem:v19+s4+$0x0], $0xffff;
	[tilespmem:s24+$0x100] =	vst v7  }
0x263: {  	v6 =	vld.idx.msk [tilespmem:v23+s4+$0x0], $0xffff;
	[tilespmem:s24+$0xFFFFFF30] =	vst v0  }
0x264: {  	v0 =	vld.idx.msk [tilespmem:v17+s4+$0x0], $0xffff;
	[tilespmem:s24+$0xFFFFFF40] =	vst v1  }
0x265: {  	v1 =	vld.idx.msk [tilespmem:v18+s4+$0x0], $0xffff;
	[tilespmem:s24+$0xFFFFFF60] =	vst v2  }
0x266: {  	v2 =	vld.idx.msk [tilespmem:v20+s4+$0x0], $0xffff;
	[tilespmem:s24+$0xFFFFFF70] =	vst v3  }
0x267: {  	v3 =	vld.idx.msk [tilespmem:v21+s4+$0x0], $0xffff;
	[tilespmem:s24+$0x0] =	vst v4  }
0x268: {  	v4 =	vld.idx.msk [tilespmem:v22+s4+$0x0], $0xffff;
	[tilespmem:s24+$0x30] =	vst v5  }
0x269: {  	[tilespmem:s24+$0x70] =	vst v6;
	v5 =	vld.idx.msk [tilespmem:v30+s4+$0x0], $0xffff  }
0x26a: {  	[tilespmem:s24+$0x10] =	vst v0;
	v0 =	vld.idx.msk [tilespmem:v25+s4+$0x0], $0xffff  }
0x26b: {  	[tilespmem:s24+$0x20] =	vst v1;
	v1 =	vld.idx.msk [tilespmem:v26+s4+$0x0], $0xffff  }
0x26c: {  	[tilespmem:s24+$0x40] =	vst v2;
	v2 =	vld.idx.msk [tilespmem:v27+s4+$0x0], $0xffff  }
0x26d: {  	[tilespmem:s24+$0x50] =	vst v3;
	v3 =	vld.idx.msk [tilespmem:v28+s4+$0x0], $0xffff  }
0x26e: {  	s25 =	simm.s32 $0x0;
	s26 =	simm.s32 $0x18D80;
	[tilespmem:s24+$0x60] =	vst v4;
	v4 =	vld.idx.msk [tilespmem:v29+s4+$0x0], $0xffff  }
.LBB2_37:
0x26f: {  	v6 =	vld [tilespmem:s26+$0x170];
	s25 =	sadd.s32 $0x20, s25;
	[tilespmem:s24+$0x110] =	vst v0  }
0x270: {  	v0 =	vld [tilespmem:s26+$0xFFFFFE10];
	p0 =	slt.u32 s25, $0xE0;
	[tilespmem:s24+$0x120] =	vst v1  }
0x271: {  	v1 =	vld [tilespmem:s26+$0xFFFFFE20];
	[tilespmem:s24+$0x130] =	vst v2  }
0x272: {  	v2 =	vld [tilespmem:s26+$0xFFFFFE30];
	[tilespmem:s24+$0x140] =	vst v3  }
0x273: {  	v3 =	vld [tilespmem:s26+$0xFFFFFE40];
	[tilespmem:s24+$0x150] =	vst v4  }
0x274: {  	v4 =	vld [tilespmem:s26+$0xFFFFFE50];
	[tilespmem:s24+$0x160] =	vst v5  }
0x275: {  	v5 =	vld [tilespmem:s26+$0xFFFFFE60]  }
0x276: {  	v7 =	vld [tilespmem:s26+$0xFFFFFE70]  }
0x277: {  	v6 =	vld.idx.msk [tilespmem:v6+s4+$0x0], $0xffff  }
0x278: {  	v8 =	vld [tilespmem:s26+$0xFFFFFF00]  }
0x279: {  	v9 =	vld [tilespmem:s26+$0xFFFFFF10]  }
0x27a: {  	v10 =	vld [tilespmem:s26+$0xFFFFFF20]  }
0x27b: {  	v11 =	vld [tilespmem:s26+$0xFFFFFF30]  }
0x27c: {  	s24 =	sadd.s32 $0x400, s24;
	v12 =	vld [tilespmem:s26+$0xFFFFFF40]  }
0x27d: {  	v13 =	vld [tilespmem:s26+$0xFFFFFF50];
	[tilespmem:s24+$0x170] =	vst v6  }
0x27e: {  	v6 =	vld [tilespmem:s26+$0xFFFFFF60]  }
0x27f: {  	v14 =	vld [tilespmem:s26+$0xFFFFFF70]  }
0x280: {  	v15 =	vld [tilespmem:s26+$0x0]  }
0x281: {  	v16 =	vld [tilespmem:s26+$0x10]  }
0x282: {  	v17 =	vld [tilespmem:s26+$0x20]  }
0x283: {  	v18 =	vld [tilespmem:s26+$0x30]  }
0x284: {  	v19 =	vld [tilespmem:s26+$0x40]  }
0x285: {  	v20 =	vld [tilespmem:s26+$0x50]  }
0x286: {  	v21 =	vld [tilespmem:s26+$0x60]  }
0x287: {  	v22 =	vld [tilespmem:s26+$0x70]  }
0x288: {  	v23 =	vld [tilespmem:s26+$0x100]  }
0x289: {  	v24 =	vld [tilespmem:s26+$0x110]  }
0x28a: {  	v25 =	vld [tilespmem:s26+$0x120]  }
0x28b: {  	v26 =	vld [tilespmem:s26+$0x130]  }
0x28c: {  	v27 =	vld [tilespmem:s26+$0x140]  }
0x28d: {  	v28 =	vld [tilespmem:s26+$0x150]  }
0x28e: {  	v29 =	vld [tilespmem:s26+$0x160]  }
0x28f: {  	v30 =	vld [tilespmem:s26+$0xFFFFFE00]  }
0x290: {  	v0 =	vld.idx.msk [tilespmem:v0+s4+$0x0], $0xffff  }
0x291: {  	v1 =	vld.idx.msk [tilespmem:v1+s4+$0x0], $0xffff  }
0x292: {  	v2 =	vld.idx.msk [tilespmem:v2+s4+$0x0], $0xffff  }
0x293: {  	v3 =	vld.idx.msk [tilespmem:v3+s4+$0x0], $0xffff  }
0x294: {  	v4 =	vld.idx.msk [tilespmem:v4+s4+$0x0], $0xffff  }
0x295: {  	v5 =	vld.idx.msk [tilespmem:v5+s4+$0x0], $0xffff  }
0x296: {  	[tilespmem:s24+$0xFFFFFE10] =	vst v0;
	v0 =	vld.idx.msk [tilespmem:v7+s4+$0x0], $0xffff  }
0x297: {  	v7 =	vld.idx.msk [tilespmem:v30+s4+$0x0], $0xffff;
	[tilespmem:s24+$0xFFFFFE20] =	vst v1  }
0x298: {  	[tilespmem:s24+$0xFFFFFE30] =	vst v2;
	v1 =	vld.idx.msk [tilespmem:v8+s4+$0x0], $0xffff  }
0x299: {  	[tilespmem:s24+$0xFFFFFE40] =	vst v3;
	v2 =	vld.idx.msk [tilespmem:v9+s4+$0x0], $0xffff  }
0x29a: {  	[tilespmem:s24+$0xFFFFFE50] =	vst v4;
	v3 =	vld.idx.msk [tilespmem:v10+s4+$0x0], $0xffff  }
0x29b: {  	[tilespmem:s24+$0xFFFFFE60] =	vst v5;
	v4 =	vld.idx.msk [tilespmem:v11+s4+$0x0], $0xffff  }
0x29c: {  	[tilespmem:s24+$0xFFFFFE70] =	vst v0;
	v0 =	vld.idx.msk [tilespmem:v12+s4+$0x0], $0xffff  }
0x29d: {  	[tilespmem:s24+$0xFFFFFE00] =	vst v7;
	v5 =	vld.idx.msk [tilespmem:v13+s4+$0x0], $0xffff  }
0x29e: {  	[tilespmem:s24+$0xFFFFFF00] =	vst v1;
	v1 =	vld.idx.msk [tilespmem:v6+s4+$0x0], $0xffff  }
0x29f: {  	[tilespmem:s24+$0xFFFFFF10] =	vst v2;
	v2 =	vld.idx.msk [tilespmem:v14+s4+$0x0], $0xffff  }
0x2a0: {  	[tilespmem:s24+$0xFFFFFF20] =	vst v3;
	v3 =	vld.idx.msk [tilespmem:v15+s4+$0x0], $0xffff  }
0x2a1: {  	[tilespmem:s24+$0xFFFFFF30] =	vst v4;
	v4 =	vld.idx.msk [tilespmem:v16+s4+$0x0], $0xffff  }
0x2a2: {  	[tilespmem:s24+$0xFFFFFF40] =	vst v0;
	v0 =	vld.idx.msk [tilespmem:v17+s4+$0x0], $0xffff  }
0x2a3: {  	[tilespmem:s24+$0xFFFFFF50] =	vst v5;
	v5 =	vld.idx.msk [tilespmem:v18+s4+$0x0], $0xffff  }
0x2a4: {  	[tilespmem:s24+$0xFFFFFF60] =	vst v1;
	v1 =	vld.idx.msk [tilespmem:v19+s4+$0x0], $0xffff  }
0x2a5: {  	[tilespmem:s24+$0xFFFFFF70] =	vst v2;
	v2 =	vld.idx.msk [tilespmem:v20+s4+$0x0], $0xffff  }
0x2a6: {  	[tilespmem:s24+$0x0] =	vst v3;
	v3 =	vld.idx.msk [tilespmem:v21+s4+$0x0], $0xffff  }
0x2a7: {  	[tilespmem:s24+$0x10] =	vst v4;
	v4 =	vld.idx.msk [tilespmem:v22+s4+$0x0], $0xffff  }
0x2a8: {  	[tilespmem:s24+$0x20] =	vst v0;
	v6 =	vld.idx.msk [tilespmem:v23+s4+$0x0], $0xffff  }
0x2a9: {  	[tilespmem:s24+$0x30] =	vst v5;
	v0 =	vld.idx.msk [tilespmem:v24+s4+$0x0], $0xffff  }
.Ltmp17:
0x2aa: {  	[tilespmem:s24+$0x40] =	vst v1;
	v1 =	vld.idx.msk [tilespmem:v25+s4+$0x0], $0xffff;
	(pc) =	sbr.rel @p0 .LBB2_37-.Ltmp17, $4  }
0x2ab: {  	[tilespmem:s24+$0x50] =	vst v2;
	v2 =	vld.idx.msk [tilespmem:v26+s4+$0x0], $0xffff  }
0x2ac: {  	[tilespmem:s24+$0x60] =	vst v3;
	v3 =	vld.idx.msk [tilespmem:v27+s4+$0x0], $0xffff  }
0x2ad: {  	[tilespmem:s24+$0x70] =	vst v4;
	v4 =	vld.idx.msk [tilespmem:v28+s4+$0x0], $0xffff  }
0x2ae: {  	s26 =	sadd.s32 $0x400, s26;
	[tilespmem:s24+$0x100] =	vst v6;
	v5 =	vld.idx.msk [tilespmem:v29+s4+$0x0], $0xffff  }
0x2af: {  	[tilespmem:s24+$0x110] =	vst v0  }
.Ltmp18:
0x2b0: {  	[tilespmem:s24+$0x120] =	vst v1;
	(pc) =	sbr.rel @p1 .LBB2_42-.Ltmp18, $4  }
0x2b1: {  	[tilespmem:s24+$0x130] =	vst v2  }
0x2b2: {  	[tilespmem:s24+$0x140] =	vst v3  }
0x2b3: {  	[tilespmem:s24+$0x150] =	vst v4  }
0x2b4: {  	[tilespmem:s24+$0x160] =	vst v5  }
0x2b5: {  	s22 =	sadd.s32 $0x3, s22  }
0x2b6: {  	s24 =	sshll.u32 s22, $0x4  }
0x2b7: {  	s22 =	sshll.u32 s22, $0x9;
	s24 =	sand.u32 $0x70, s24  }
0x2b8: {  	s22 =	sand.u32 $0xF000, s22;
	s24 =	sadd.s32 s1, s24  }
0x2b9: {  	s25 =	simm.s32 $0x80;
	s22 =	sadd.s32 s22, s24  }
0x2ba: {  	s26 =	simm.s32 $0x18880;
	s24 =	simm.s32 $0x18780;
	s28 =	sadd.s32 $0x0, s22  }
.LBB2_40:
0x2bb: {  	[tilespmem:s24], [sflag:$0x3] =	stream.linear.gather [hbm4b:s28+s4], $0x80, $0x38;
	[tilespmem:$0x1C700] =	vst v63  }
0x2bc: {  	s28 =	smov.u32 s25;
	s24 =	smov.u32 s26;
	p0 =	sne.s32 s25, $0xF80  }
.Ltmp19:
0x2bd: {  	s25 =	sadd.s32 $0x80, s25;
	(pc) =	sbr.rel @p0 .LBB2_40-.Ltmp19, $2  }
0x2be: {  	_ =	sdelay $0x2  }
0x2bf: {  	s26 =	sadd.s32 $0x100, s26;
	s28 =	sadd.s32 s28, s22  }
0x2c0: {  	[tilespmem:s24], [sflag:$0x3] =	stream.linear.gather [hbm4b:s28+s4], $0x80, $0x38;
	[tilespmem:$0x1C700] =	vst v63  }
.LBB2_42:
0x2c1: {  	s22 =	sadd.s32 s23, s10;
	s23 =	simm.s32 $0x1A780  }
0x2c2: {  	s24 =	simm.s32 $0x80;
	s25 =	simm.s32 $0x1A880;
	s26 =	sadd.s32 $0x0, s22  }
.LBB2_43:
0x2c3: {  	[hbm4b:s26+s4] =	stream.linear.scatter [tilespmem:s23], [sflag:$0x5], $0x80, $0x38;
	[tilespmem:$0x1C700] =	vst v63  }
0x2c4: {  	s26 =	smov.u32 s24;
	s23 =	smov.u32 s25;
	p0 =	sne.s32 s24, $0xF80  }
.Ltmp20:
0x2c5: {  	s24 =	sadd.s32 $0x80, s24;
	(pc) =	sbr.rel @p0 .LBB2_43-.Ltmp20, $2  }
0x2c6: {  	_ =	sdelay $0x2  }
0x2c7: {  	s25 =	sadd.s32 $0x100, s25;
	s26 =	sadd.s32 s26, s22  }
0x2c8: {  	s21 =	sadd.s32 $0x1, s21  }
0x2c9: {  	p0 =	sne.s32 s21, $0x19  }
.Ltmp21:
0x2ca: {  	_ = 	snop;
	(pc) =	sbr.rel @p0 .LBB2_28-.Ltmp21, $2  }
0x2cb: {  	_ =	sdelay $0x2  }
0x2cc: {  	[hbm4b:s26+s4] =	stream.linear.scatter [tilespmem:s23], [sflag:$0x5], $0x80, $0x38;
	[tilespmem:$0x1C700] =	vst v63  }
0x2cd: {  	s20 =	sadd.s32 $0x1, s20  }
0x2ce: {  	_ =	swait.ge [sflag:s18], $0x1000;
	p0 =	sne.s32 s20, s12  }
.Ltmp22:
0x2cf: {  	[sflag:s18] =	ssyncset.done $0x0;
	(pc) =	sbr.rel @p0 .LBB2_1-.Ltmp22, $4  }
0x2d0: {  	[sflag:s18] =	ssyncadd.s32 $0xFFFFF000  }
0x2d1: {  	_ =	swait.ge [sflag:s19], $0x1000  }
0x2d2: {  	[sflag:s19] =	ssyncset.done $0x0  }
0x2d3: {  	[sflag:s19] =	ssyncadd.s32 $0xFFFFF000  }
0x2d4: {  	_ =	sfence.sel $0x180000  }
0x2d5: {  	[bflag:$0x0] =	sbarrier.arrive $0xFFFF  }
0x2d6: {  	p0 =	sne.s32 s3, $0x0;
	_ =	strace $0x90000047  }
0x2d7: {  	s0 =	sadd.s32 @!p0 $0x100000, s0;
	[bflag:$0x2] =	sbarrier.arrive $0xFFFF  }
0x2d8: {  	[sflag:s0] =	ssyncadd.tile.s32 @!p0 $0x1;
	_ =	shalt  }
.Lfunc_end2:
_tile_overlayer_lowered:
.L_overlay_start_2:
0x2d9: {  	(tag) =	ssettag $0x2  }
0x2da: {  	s0 =	rddreg [dreg:$0x0];
	s2 =	stileid.u32  }
0x2db: {  	s1 =	rddreg [dreg:$0x1];
	p0 =	sne.s32 s2, $0x0  }
0x2dc: {  	s3 =	rddreg [dreg:$0x2];
	[bflag:$0x3] =	sbarrier.arrive $0xFFFF;
	s2 =	simm.s32 @!p0 $0x1C06  }
0x2dd: {  	[timem:s3], [sflag:s2] =	dma.local @!p0 [hbm:s0], s1  }
0x2de: {  	s0 =	simm.s32 @!p0 $0x6  }
0x2df: {  	_ =	swait.ge @!p0 [sflag:s0], s1  }
0x2e0: {  	s1 =	ssub.s32 @!p0 $0x0, s1;
	[sflag:s0] =	ssyncset.done @!p0 $0x0  }
0x2e1: {  	[sflag:s0] =	ssyncadd.s32 @!p0 s1  }
0x2e2: {  	[bflag:$0x3] =	sbarrier.arrive $0xFFFF  }
0x2e3: {  	_ =	shalt  }

</sc_bundles>
